<compile_context>
chip_gen: v7x
topology: tpu7x:2x2x1
jax: 0.10.2.dev20260603
libtpu: 0.0.44.dev20260713+nightly
codegen_flags: <defaults>
</compile_context>

<pallas_src>
import jax
import jax.numpy as jnp
import numpy as np
from jax import lax
from jax.experimental import pallas as pl

_H = 512
_W = 512
_NKX = 51
_VP = 2688


def _bf16_rne(x):
    u = lax.bitcast_convert_type(x, jnp.uint32)
    lsb = (u >> 16) & jnp.uint32(1)
    v = ((u + jnp.uint32(0x7FFF) + lsb) >> 16) << 16
    return lax.bitcast_convert_type(v, jnp.float32)


def _nosticky_add(p0, p1):
    a0 = jnp.abs(p0)
    a1 = jnp.abs(p1)
    big = jnp.where(a0 >= a1, p0, p1)
    small = jnp.where(a0 >= a1, p1, p0)
    ub = lax.bitcast_convert_type(big, jnp.uint32)
    us = lax.bitcast_convert_type(small, jnp.uint32)
    eb = ((ub >> 23) & jnp.uint32(0xFF)).astype(jnp.int32)
    es = ((us >> 23) & jnp.uint32(0xFF)).astype(jnp.int32)
    dd = eb - es
    sh = jnp.clip(dd - 4, 0, 31).astype(jnp.uint32)
    cleared = (us >> sh) << sh
    cleared = jnp.where(dd > 27, jnp.uint32(0), cleared)
    small_t = lax.bitcast_convert_type(cleared, jnp.float32)
    return big + small_t


def _cand_kernel(aug_ref, idx_ref, val_ref):
    b3 = aug_ref[0]
    nb = b3.shape[0]
    cx = b3[:, 0:1]
    cy = b3[:, 1:2]
    r0 = b3[:, 3:4]
    r1 = b3[:, 4:5]
    r2 = b3[:, 5:6]
    c = b3[:, 7:8]
    s = b3[:, 8:9]
    bmask = b3[:, 9:10] > 0.5

    j = lax.broadcasted_iota(jnp.int32, (nb, _VP), 1)
    kxi = j // _NKX
    kyi = j % _NKX
    offx = (kxi - 25).astype(jnp.float32) * jnp.float32(0.32)
    offy = (kyi - 25).astype(jnp.float32) * jnp.float32(0.32)

    px = cx + offx
    py = cy + offy
    vx = jnp.round(px / jnp.float32(0.32)).astype(jnp.int32)
    vy = jnp.round(py / jnp.float32(0.32)).astype(jnp.int32)
    qx = vx.astype(jnp.float32) * jnp.float32(0.32)
    qy = vy.astype(jnp.float32) * jnp.float32(0.32)
    cz = b3[:, 2:3]
    vz = jnp.round(cz / jnp.float32(1000.0)).astype(jnp.int32)

    bc = _bf16_rne(c)
    bs = _bf16_rne(s)
    bqx = _bf16_rne(qx)
    bqy = _bf16_rne(qy)
    rot_x = _nosticky_add(bqx * bc, bqy * bs)
    rot_y = _nosticky_add(bqx * (-bs), bqy * bc)
    inv_x = -_nosticky_add(_bf16_rne(cx) * bc, _bf16_rne(cy) * bs)
    inv_y = -_nosticky_add(_bf16_rne(cx) * (-bs), _bf16_rne(cy) * bc)
    t0 = rot_x + inv_x
    t1 = rot_y + inv_y

    mask = (jnp.abs(t0) <= r0) & (jnp.abs(t1) <= r1) & (jnp.float32(0.0) <= r2)
    mask = mask & bmask & (j < _NKX * _NKX)
    val = jnp.exp(t0 * t0 * jnp.float32(-0.5) + t1 * t1 * jnp.float32(-0.5))

    pvx = jnp.round(qx / jnp.float32(0.32)).astype(jnp.int32) + 256
    pvy = jnp.round(qy / jnp.float32(0.32)).astype(jnp.int32) + 256
    in_b = (pvx >= 0) & (pvx < _H) & (pvy >= 0) & (pvy < _W) & (vz == 0)
    valid = mask & in_b
    flat = pvx * _W + pvy + vz
    idx_ref[0] = jnp.where(valid, flat, _H * _W)
    val_ref[0] = val


def kernel(box_3d, box_classes, box_mask):
    B, nb = box_3d.shape[:2]
    heading = box_3d[:, :, -1]
    c = jnp.cos(heading)
    s = jnp.sin(heading)
    aug = jnp.concatenate(
        [box_3d, c[..., None], s[..., None],
         box_mask.astype(jnp.float32)[..., None]], axis=-1)

    flatN, valN = pl.pallas_call(
        _cand_kernel,
        grid=(B,),
        in_specs=[pl.BlockSpec((1, nb, 10), lambda i: (i, 0, 0))],
        out_specs=(pl.BlockSpec((1, nb, _VP), lambda i: (i, 0, 0)),
                   pl.BlockSpec((1, nb, _VP), lambda i: (i, 0, 0))),
        out_shape=(jax.ShapeDtypeStruct((B, nb, _VP), jnp.int32),
                   jax.ShapeDtypeStruct((B, nb, _VP), jnp.float32)),
    )(aug)

    N = nb * _VP
    flatN = flatN.reshape(B, N)
    valN = valN.reshape(B, N)
    n = jnp.broadcast_to(jnp.arange(N, dtype=jnp.int32)[None, :], (B, N))
    bidx = jnp.broadcast_to(jnp.arange(B, dtype=jnp.int32)[:, None], (B, N))

    w = jnp.full((B, _H * _W), -1, dtype=jnp.int32).at[bidx, flatN].max(
        n, mode='drop')
    has = w >= 0
    wc = jnp.maximum(w, 0)
    dense_id = jnp.where(has, wc // _VP, 0)
    dense_val = jnp.where(has, jnp.take_along_axis(valN, wc, axis=1), 0.0)

    cls = jnp.take_along_axis(box_classes, dense_id, axis=1)
    box7 = jnp.take_along_axis(box_3d, dense_id[..., None], axis=1)

    m1 = (cls == 1).astype(jnp.float32)
    m2 = (cls == 2).astype(jnp.float32)
    hm1 = dense_val * m1
    hm2 = dense_val * m2

    b1 = (box7 * m1[..., None]).reshape(B, _H, _W, 7)
    b2 = (box7 * m2[..., None]).reshape(B, _H, _W, 7)

    def topk_idx(hm_flat):
        _, idx = jax.lax.top_k(hm_flat, 256)
        return jnp.stack([idx // _W, idx % _W], axis=-1)

    tk1 = topk_idx(hm1)
    tk2 = topk_idx(hm2)

    heatmaps = jnp.stack([hm1.reshape(B, _H, _W), hm2.reshape(B, _H, _W)])
    boxes = jnp.stack([b1, b2])
    topks = jnp.stack([tk1, tk2])
    return (heatmaps, boxes, topks)

# --- scband reference (transcript-rebuilt; emitter-appended) ---
"""Pipeline reference for scband-center-net-label-encoder-67791763800292 (READ-ONLY COPY).

The authoritative reference and input builder live on the scoring server;
editing this copy changes nothing except your own understanding.
"""

import math
import jax, jax.numpy as jnp
import numpy as np

VOXEL_SIZE = [0.32, 0.32, 1000.0]
MAX_RADIUS = [8.0, 8.0, 0.0]
SPATIAL_SIZE = [-81.92, 81.92, -81.92, 81.92, -20.0, 20.0]
NUM_CLASSES = 2
TOP_K = [256, 256]
INF_VOXEL_SIZE = 100


def _meshgrid(m, voxel_size):
    mesh = np.mgrid[-m[0]:m[0] + 1, -m[1]:m[1] + 1, -m[2]:m[2] + 1]
    mesh = np.concatenate([a[..., np.newaxis] for a in mesh], axis=-1)
    mesh = np.reshape(mesh, [-1, 3]).astype(np.float32)
    return mesh * np.array(voxel_size, dtype=np.float32)


def point_to_voxel_coord(p, voxel_size):
    return jnp.round(p / jnp.array(voxel_size, dtype=p.dtype)).astype(jnp.int32)


def voxel_coord_to_point(c, voxel_size):
    return c.astype(jnp.float32) * jnp.array(voxel_size, dtype=jnp.float32)


def compute_voxel_origin(spatial_size, voxel_size):
    mins = np.array(spatial_size[::2], dtype=np.float32)
    return np.round(mins / np.array(voxel_size, dtype=np.float32)).astype(np.int32)


def compute_voxel_spatial_size(spatial_size, voxel_size):
    return [int(math.ceil((spatial_size[2 * i + 1] - spatial_size[2 * i]) / voxel_size[i] - 1e-5)) for i in range(3)]


def get_yaw_rotation(heading):
    c = jnp.cos(heading)
    s = jnp.sin(heading)
    z = jnp.zeros_like(heading)
    o = jnp.ones_like(heading)
    r0 = jnp.stack([c, -s, z], axis=-1)
    r1 = jnp.stack([s, c, z], axis=-1)
    r2 = jnp.stack([z, z, o], axis=-1)
    return jnp.stack([r0, r1, r2], axis=-2)


def inv_loc(rot, loc):
    return -jnp.matmul(loc[..., None, :], rot)[..., 0, :]


def compute_heatmap(box_3d, box_mask, voxel_size, max_radius):
    mrv = [int(math.ceil(mr / vs)) for mr, vs in zip(max_radius, voxel_size)]
    points_np = _meshgrid(mrv, voxel_size)
    box_center = box_3d[:, :, :3]
    point_xyz = box_center[:, :, None, :] + jnp.asarray(points_np)[None, None, :, :]
    point_xyz = voxel_coord_to_point(point_to_voxel_coord(point_xyz, voxel_size), voxel_size)
    heading = box_3d[:, :, -1]
    rot = get_yaw_rotation(heading)
    point_xyz_rot = jnp.matmul(point_xyz, rot)
    point_xyz_transform = point_xyz_rot + inv_loc(rot, box_center)[:, :, None, :]
    if voxel_size[2] > INF_VOXEL_SIZE:
        point_xyz_transform = jnp.concatenate([point_xyz_transform[..., :2], jnp.zeros_like(point_xyz_transform[..., :1])], axis=-1)
    radius = box_3d[:, :, 3:6][:, :, None, :]
    sigma = jnp.ones_like(radius)
    mask = jnp.all(jnp.abs(point_xyz_transform) <= radius, axis=-1)
    mask = jnp.logical_and(box_mask[:, :, None], mask)
    p2 = point_xyz_transform * point_xyz_transform
    heatmap = jnp.exp(jnp.sum(p2 * (-0.5 / (sigma * sigma)), axis=-1))
    B, nb, V, _ = point_xyz.shape
    box_id = jnp.tile(jnp.arange(nb, dtype=jnp.int32)[None, :, None], (B, 1, V))
    return (point_xyz.reshape(B, nb * V, 3), mask.reshape(B, nb * V), heatmap.reshape(B, nb * V), box_id.reshape(B, nb * V))


def scatter_to_dense_heatmap(point_xyz, point_mask, point_box_id, heatmap, voxel_size, spatial_size):
    pv = point_to_voxel_coord(point_xyz, voxel_size)
    origin = compute_voxel_origin(spatial_size, voxel_size)
    pv = pv - jnp.asarray(origin)[None, None, :]
    vss = compute_voxel_spatial_size(spatial_size, voxel_size)
    valid = jnp.all(jnp.logical_and(pv >= 0, pv < jnp.array(vss, dtype=pv.dtype)), axis=-1)
    valid = jnp.logical_and(valid, point_mask)
    heatmap = heatmap * valid.astype(heatmap.dtype)
    H, W, Z = vss
    flat = pv[..., 0] * (W * Z) + pv[..., 1] * Z + pv[..., 2]
    flat = jnp.where(valid, flat, H * W * Z)
    B = heatmap.shape[0]
    bidx = jnp.broadcast_to(jnp.arange(B, dtype=jnp.int32)[:, None], flat.shape)
    dense_h = jnp.zeros((B, H * W * Z), dtype=heatmap.dtype).at[bidx, flat].set(heatmap, mode='drop')
    dense_id = jnp.zeros((B, H * W * Z), dtype=jnp.int32).at[bidx, flat].set(point_box_id, mode='drop')
    return dense_h.reshape(B, H, W, Z), dense_id.reshape(B, H, W, Z)


def decode_tensor(t, dims):
    multipliers = []
    multiplier = 1
    for d in reversed(list(dims)):
        multipliers.append(multiplier)
        multiplier = multiplier * d
    multipliers = list(reversed(multipliers))
    outs = []
    rem = t
    for m in multipliers:
        outs.append(rem // m)
        rem = rem % m
    return jnp.stack(outs, axis=-1)


def compute_top_k_heatmap_idx(heatmap, k):
    B = heatmap.shape[0]
    dims = heatmap.shape[1:]
    flat = heatmap.reshape(B, -1)
    _, idx = jax.lax.top_k(flat, k)
    return decode_tensor(idx, dims)


def setup_inputs():
    key = jax.random.PRNGKey(0)
    k1, k2 = jax.random.split(key)
    box_3d = jax.random.normal(k1, (4, 128, 7), dtype=jnp.float32)
    box_classes = jax.random.randint(k2, (4, 128), 0, 3, dtype=jnp.int32)
    box_mask = jnp.ones((4, 128), dtype=bool)
    return {"box_3d": box_3d, "box_classes": box_classes, "box_mask": box_mask}


def reference(box_3d, box_classes, box_mask):
    point_xyz, point_mask, heatmap, box_id = compute_heatmap(box_3d, box_mask, VOXEL_SIZE, MAX_RADIUS)
    dense_heatmap, dense_box_id = scatter_to_dense_heatmap(point_xyz, point_mask, box_id, heatmap, VOXEL_SIZE, SPATIAL_SIZE)
    dense_heatmap = dense_heatmap[..., 0]
    dense_box_id = dense_box_id[..., 0]
    B, H, W = dense_heatmap.shape
    flat_id = dense_box_id.reshape(B, -1)
    dense_box_classes = jnp.take_along_axis(box_classes, flat_id, axis=1).reshape(B, H, W)
    dense_box_3d = jnp.take_along_axis(box_3d, flat_id[..., None], axis=1).reshape(B, H, W, 7)
    heatmaps = []
    boxes = []
    topks = []
    for i in range(NUM_CLASSES):
        cls_mask = (dense_box_classes == (i + 1)).astype(dense_heatmap.dtype)
        hm_i = dense_heatmap * cls_mask
        heatmaps.append(hm_i)
        boxes.append(dense_box_3d * cls_mask[..., None])
        topks.append(compute_top_k_heatmap_idx(hm_i, TOP_K[i]))
    return (jnp.stack(heatmaps), jnp.stack(boxes), jnp.stack(topks))

if __name__ == "__main__":
    import jax
    _d = setup_inputs()
    print(jax.jit(kernel)(*tuple(_d.values())))

</pallas_src>

<mosaic_0001>
module attributes {stable_mosaic.version = 14 : i64} {
  func.func @_cand_kernel(%arg0: i32, %arg1: memref<1x128x10xf32, #tpu.memory_space<vmem>>, %arg2: memref<1x128x2688xi32, #tpu.memory_space<vmem>>, %arg3: memref<1x128x2688xf32, #tpu.memory_space<vmem>>) attributes {dimension_semantics = [#tpu.dimension_semantics<arbitrary>], iteration_bounds = array<i64: 4>, scalar_prefetch = 0 : i64, scratch_operands = 0 : i64, tpu.core_type = #tpu.core_type<tc>, window_params = [{transform_indices = @transform_0, window_bounds = array<i64: 1, 128, 10>}, {transform_indices = @transform_1, window_bounds = array<i64: 1, 128, 2688>}, {transform_indices = @transform_2, window_bounds = array<i64: 1, 128, 2688>}]} {
    %get3A = arith.constant 0 : index
    %get3A_0 = arith.constant 0 : index
    %get3A_1 = arith.constant 0 : index
    %get3A_2 = vector.load %arg1[%get3A, %get3A_0, %get3A_1] : memref<1x128x10xf32, #tpu.memory_space<vmem>>, vector<1x128x10xf32>
    %get3A_3 = vector.shape_cast %get3A_2 : vector<1x128x10xf32> to vector<128x10xf32>
    %slice3A = vector.extract_strided_slice %get3A_3 {offsets = [0, 0], sizes = [128, 1], strides = [1, 1]} : vector<128x10xf32> to vector<128x1xf32>
    %slice3A_4 = vector.extract_strided_slice %get3A_3 {offsets = [0, 1], sizes = [128, 1], strides = [1, 1]} : vector<128x10xf32> to vector<128x1xf32>
    %slice3A_5 = vector.extract_strided_slice %get3A_3 {offsets = [0, 3], sizes = [128, 1], strides = [1, 1]} : vector<128x10xf32> to vector<128x1xf32>
    %slice3A_6 = vector.extract_strided_slice %get3A_3 {offsets = [0, 4], sizes = [128, 1], strides = [1, 1]} : vector<128x10xf32> to vector<128x1xf32>
    %slice3A_7 = vector.extract_strided_slice %get3A_3 {offsets = [0, 5], sizes = [128, 1], strides = [1, 1]} : vector<128x10xf32> to vector<128x1xf32>
    %slice3A_8 = vector.extract_strided_slice %get3A_3 {offsets = [0, 7], sizes = [128, 1], strides = [1, 1]} : vector<128x10xf32> to vector<128x1xf32>
    %slice3A_9 = vector.extract_strided_slice %get3A_3 {offsets = [0, 8], sizes = [128, 1], strides = [1, 1]} : vector<128x10xf32> to vector<128x1xf32>
    %slice3A_10 = vector.extract_strided_slice %get3A_3 {offsets = [0, 9], sizes = [128, 1], strides = [1, 1]} : vector<128x10xf32> to vector<128x1xf32>
    %gt3A = arith.constant 5.000000e-01 : f32
    %gt3A_11 = vector.broadcast %gt3A : f32 to vector<128x1xf32>
    %gt3A_12 = arith.cmpf ogt, %slice3A_10, %gt3A_11 : vector<128x1xf32>
    %iota3A = tpu.iota {dimensions = array<i32: 1>} : vector<128x2688xi32>
    %jit3A = arith.constant 51 : i32
    %div3A = vector.broadcast %jit3A : i32 to vector<128x2688xi32>
    %div3A_13 = arith.divsi %iota3A, %div3A : vector<128x2688xi32>
    %sign3A = arith.constant 0 : i32
    %sign3A_14 = vector.broadcast %sign3A : i32 to vector<128x2688xi32>
    %sign3A_15 = arith.cmpi sgt, %iota3A, %sign3A_14 : vector<128x2688xi32>
    %sign3A_16 = arith.extui %sign3A_15 : vector<128x2688xi1> to vector<128x2688xi32>
    %sign3A_17 = arith.constant 0 : i32
    %sign3A_18 = vector.broadcast %sign3A_17 : i32 to vector<128x2688xi32>
    %sign3A_19 = arith.cmpi slt, %iota3A, %sign3A_18 : vector<128x2688xi32>
    %sign3A_20 = arith.extui %sign3A_19 : vector<128x2688xi1> to vector<128x2688xi32>
    %sign3A_21 = arith.subi %sign3A_16, %sign3A_20 : vector<128x2688xi32>
    %sign3A_22 = arith.constant 0 : i32
    %sign3A_23 = arith.cmpi sgt, %jit3A, %sign3A_22 : i32
    %sign3A_24 = arith.extui %sign3A_23 : i1 to i32
    %sign3A_25 = arith.constant 0 : i32
    %sign3A_26 = arith.cmpi slt, %jit3A, %sign3A_25 : i32
    %sign3A_27 = arith.extui %sign3A_26 : i1 to i32
    %sign3A_28 = arith.subi %sign3A_24, %sign3A_27 : i32
    %ne3A = vector.broadcast %sign3A_28 : i32 to vector<128x2688xi32>
    %ne3A_29 = arith.cmpi ne, %sign3A_21, %ne3A : vector<128x2688xi32>
    %rem3A = vector.broadcast %jit3A : i32 to vector<128x2688xi32>
    %rem3A_30 = arith.remsi %iota3A, %rem3A : vector<128x2688xi32>
    %ne3A_31 = arith.constant 0 : i32
    %ne3A_32 = vector.broadcast %ne3A_31 : i32 to vector<128x2688xi32>
    %ne3A_33 = arith.cmpi ne, %rem3A_30, %ne3A_32 : vector<128x2688xi32>
    %and3A = arith.andi %ne3A_29, %ne3A_33 : vector<128x2688xi1>
    %sub3A = arith.constant 1 : i32
    %sub3A_34 = vector.broadcast %sub3A : i32 to vector<128x2688xi32>
    %sub3A_35 = arith.subi %div3A_13, %sub3A_34 : vector<128x2688xi32>
    %select_n3A = arith.select %and3A, %sub3A_35, %div3A_13 : vector<128x2688xi1>, vector<128x2688xi32>
    %jit3A_36 = arith.constant 51 : i32
    %eq3A = arith.constant 0 : i32
    %eq3A_37 = arith.cmpi eq, %jit3A_36, %eq3A : i32
    %jit3A_38 = arith.constant 1 : i32
    %select_n3A_39 = arith.select %eq3A_37, %jit3A_38, %jit3A_36 : i32
    %rem3A_40 = vector.broadcast %select_n3A_39 : i32 to vector<128x2688xi32>
    %rem3A_41 = arith.remsi %iota3A, %rem3A_40 : vector<128x2688xi32>
    %ne3A_42 = arith.constant 0 : i32
    %ne3A_43 = vector.broadcast %ne3A_42 : i32 to vector<128x2688xi32>
    %ne3A_44 = arith.cmpi ne, %rem3A_41, %ne3A_43 : vector<128x2688xi32>
    %lt3A = arith.constant 0 : i32
    %lt3A_45 = vector.broadcast %lt3A : i32 to vector<128x2688xi32>
    %lt3A_46 = arith.cmpi slt, %rem3A_41, %lt3A_45 : vector<128x2688xi32>
    %lt3A_47 = arith.constant 0 : i32
    %lt3A_48 = arith.cmpi slt, %select_n3A_39, %lt3A_47 : i32
    %ne3A_49 = vector.broadcast %lt3A_48 : i1 to vector<128x2688xi1>
    %ne3A_50 = vector.broadcast %ne3A_49 : vector<128x2688xi1> to vector<128x2688xi1>
    %ne3A_51 = arith.xori %lt3A_46, %ne3A_50 : vector<128x2688xi1>
    %and3A_52 = arith.andi %ne3A_51, %ne3A_44 : vector<128x2688xi1>
    %add3A = vector.broadcast %select_n3A_39 : i32 to vector<128x2688xi32>
    %add3A_53 = arith.addi %rem3A_41, %add3A : vector<128x2688xi32>
    %select_n3A_54 = arith.select %and3A_52, %add3A_53, %rem3A_41 : vector<128x2688xi1>, vector<128x2688xi32>
    %sub3A_55 = arith.constant 25 : i32
    %sub3A_56 = vector.broadcast %sub3A_55 : i32 to vector<128x2688xi32>
    %sub3A_57 = arith.subi %select_n3A, %sub3A_56 : vector<128x2688xi32>
    %convert_element_type3A = arith.sitofp %sub3A_57 : vector<128x2688xi32> to vector<128x2688xf32>
    %mul3A = arith.constant 3.200000e-01 : f32
    %mul3A_58 = vector.broadcast %mul3A : f32 to vector<128x2688xf32>
    %mul3A_59 = arith.mulf %convert_element_type3A, %mul3A_58 : vector<128x2688xf32>
    %sub3A_60 = arith.constant 25 : i32
    %sub3A_61 = vector.broadcast %sub3A_60 : i32 to vector<128x2688xi32>
    %sub3A_62 = arith.subi %select_n3A_54, %sub3A_61 : vector<128x2688xi32>
    %convert_element_type3A_63 = arith.sitofp %sub3A_62 : vector<128x2688xi32> to vector<128x2688xf32>
    %mul3A_64 = arith.constant 3.200000e-01 : f32
    %mul3A_65 = vector.broadcast %mul3A_64 : f32 to vector<128x2688xf32>
    %mul3A_66 = arith.mulf %convert_element_type3A_63, %mul3A_65 : vector<128x2688xf32>
    %add3A_67 = vector.broadcast %slice3A : vector<128x1xf32> to vector<128x2688xf32>
    %add3A_68 = arith.addf %add3A_67, %mul3A_59 : vector<128x2688xf32>
    %add3A_69 = vector.broadcast %slice3A_4 : vector<128x1xf32> to vector<128x2688xf32>
    %add3A_70 = arith.addf %add3A_69, %mul3A_66 : vector<128x2688xf32>
    %div3A_71 = arith.constant 3.200000e-01 : f32
    %div3A_72 = vector.broadcast %div3A_71 : f32 to vector<128x2688xf32>
    %div3A_73 = arith.divf %add3A_68, %div3A_72 : vector<128x2688xf32>
    %round3A = math.roundeven %div3A_73 : vector<128x2688xf32>
    %convert_element_type3A_74 = arith.fptosi %round3A : vector<128x2688xf32> to vector<128x2688xi32>
    %div3A_75 = arith.constant 3.200000e-01 : f32
    %div3A_76 = vector.broadcast %div3A_75 : f32 to vector<128x2688xf32>
    %div3A_77 = arith.divf %add3A_70, %div3A_76 : vector<128x2688xf32>
    %round3A_78 = math.roundeven %div3A_77 : vector<128x2688xf32>
    %convert_element_type3A_79 = arith.fptosi %round3A_78 : vector<128x2688xf32> to vector<128x2688xi32>
    %convert_element_type3A_80 = arith.sitofp %convert_element_type3A_74 : vector<128x2688xi32> to vector<128x2688xf32>
    %mul3A_81 = arith.constant 3.200000e-01 : f32
    %mul3A_82 = vector.broadcast %mul3A_81 : f32 to vector<128x2688xf32>
    %mul3A_83 = arith.mulf %convert_element_type3A_80, %mul3A_82 : vector<128x2688xf32>
    %convert_element_type3A_84 = arith.sitofp %convert_element_type3A_79 : vector<128x2688xi32> to vector<128x2688xf32>
    %mul3A_85 = arith.constant 3.200000e-01 : f32
    %mul3A_86 = vector.broadcast %mul3A_85 : f32 to vector<128x2688xf32>
    %mul3A_87 = arith.mulf %convert_element_type3A_84, %mul3A_86 : vector<128x2688xf32>
    %slice3A_88 = vector.extract_strided_slice %get3A_3 {offsets = [0, 2], sizes = [128, 1], strides = [1, 1]} : vector<128x10xf32> to vector<128x1xf32>
    %div3A_89 = arith.constant 1.000000e+03 : f32
    %div3A_90 = vector.broadcast %div3A_89 : f32 to vector<128x1xf32>
    %div3A_91 = arith.divf %slice3A_88, %div3A_90 : vector<128x1xf32>
    %round3A_92 = math.roundeven %div3A_91 : vector<128x1xf32>
    %convert_element_type3A_93 = arith.fptosi %round3A_92 : vector<128x1xf32> to vector<128x1xi32>
    %bitcast_convert_type3A = tpu.bitcast %slice3A_8 : vector<128x1xf32> -> vector<128x1xi32>
    %shift_right_logical3A = arith.constant 16 : i32
    %shift_right_logical3A_94 = vector.broadcast %shift_right_logical3A : i32 to vector<128x1xi32>
    %shift_right_logical3A_95 = arith.shrui %bitcast_convert_type3A, %shift_right_logical3A_94 : vector<128x1xi32>
    %and3A_96 = arith.constant 1 : i32
    %and3A_97 = vector.broadcast %and3A_96 : i32 to vector<128x1xi32>
    %and3A_98 = arith.andi %shift_right_logical3A_95, %and3A_97 : vector<128x1xi32>
    %add3A_99 = arith.constant 32767 : i32
    %add3A_100 = vector.broadcast %add3A_99 : i32 to vector<128x1xi32>
    %add3A_101 = arith.addi %bitcast_convert_type3A, %add3A_100 : vector<128x1xi32>
    %add3A_102 = arith.addi %add3A_101, %and3A_98 : vector<128x1xi32>
    %shift_right_logical3A_103 = arith.constant 16 : i32
    %shift_right_logical3A_104 = vector.broadcast %shift_right_logical3A_103 : i32 to vector<128x1xi32>
    %shift_right_logical3A_105 = arith.shrui %add3A_102, %shift_right_logical3A_104 : vector<128x1xi32>
    %shift_left3A = arith.constant 16 : i32
    %shift_left3A_106 = vector.broadcast %shift_left3A : i32 to vector<128x1xi32>
    %shift_left3A_107 = arith.shli %shift_right_logical3A_105, %shift_left3A_106 : vector<128x1xi32>
    %bitcast_convert_type3A_108 = tpu.bitcast %shift_left3A_107 : vector<128x1xi32> -> vector<128x1xf32>
    %bitcast_convert_type3A_109 = tpu.bitcast %slice3A_9 : vector<128x1xf32> -> vector<128x1xi32>
    %shift_right_logical3A_110 = arith.constant 16 : i32
    %shift_right_logical3A_111 = vector.broadcast %shift_right_logical3A_110 : i32 to vector<128x1xi32>
    %shift_right_logical3A_112 = arith.shrui %bitcast_convert_type3A_109, %shift_right_logical3A_111 : vector<128x1xi32>
    %and3A_113 = arith.constant 1 : i32
    %and3A_114 = vector.broadcast %and3A_113 : i32 to vector<128x1xi32>
    %and3A_115 = arith.andi %shift_right_logical3A_112, %and3A_114 : vector<128x1xi32>
    %add3A_116 = arith.constant 32767 : i32
    %add3A_117 = vector.broadcast %add3A_116 : i32 to vector<128x1xi32>
    %add3A_118 = arith.addi %bitcast_convert_type3A_109, %add3A_117 : vector<128x1xi32>
    %add3A_119 = arith.addi %add3A_118, %and3A_115 : vector<128x1xi32>
    %shift_right_logical3A_120 = arith.constant 16 : i32
    %shift_right_logical3A_121 = vector.broadcast %shift_right_logical3A_120 : i32 to vector<128x1xi32>
    %shift_right_logical3A_122 = arith.shrui %add3A_119, %shift_right_logical3A_121 : vector<128x1xi32>
    %shift_left3A_123 = arith.constant 16 : i32
    %shift_left3A_124 = vector.broadcast %shift_left3A_123 : i32 to vector<128x1xi32>
    %shift_left3A_125 = arith.shli %shift_right_logical3A_122, %shift_left3A_124 : vector<128x1xi32>
    %bitcast_convert_type3A_126 = tpu.bitcast %shift_left3A_125 : vector<128x1xi32> -> vector<128x1xf32>
    %bitcast_convert_type3A_127 = tpu.bitcast %mul3A_83 : vector<128x2688xf32> -> vector<128x2688xi32>
    %shift_right_logical3A_128 = arith.constant 16 : i32
    %shift_right_logical3A_129 = vector.broadcast %shift_right_logical3A_128 : i32 to vector<128x2688xi32>
    %shift_right_logical3A_130 = arith.shrui %bitcast_convert_type3A_127, %shift_right_logical3A_129 : vector<128x2688xi32>
    %and3A_131 = arith.constant 1 : i32
    %and3A_132 = vector.broadcast %and3A_131 : i32 to vector<128x2688xi32>
    %and3A_133 = arith.andi %shift_right_logical3A_130, %and3A_132 : vector<128x2688xi32>
    %add3A_134 = arith.constant 32767 : i32
    %add3A_135 = vector.broadcast %add3A_134 : i32 to vector<128x2688xi32>
    %add3A_136 = arith.addi %bitcast_convert_type3A_127, %add3A_135 : vector<128x2688xi32>
    %add3A_137 = arith.addi %add3A_136, %and3A_133 : vector<128x2688xi32>
    %shift_right_logical3A_138 = arith.constant 16 : i32
    %shift_right_logical3A_139 = vector.broadcast %shift_right_logical3A_138 : i32 to vector<128x2688xi32>
    %shift_right_logical3A_140 = arith.shrui %add3A_137, %shift_right_logical3A_139 : vector<128x2688xi32>
    %shift_left3A_141 = arith.constant 16 : i32
    %shift_left3A_142 = vector.broadcast %shift_left3A_141 : i32 to vector<128x2688xi32>
    %shift_left3A_143 = arith.shli %shift_right_logical3A_140, %shift_left3A_142 : vector<128x2688xi32>
    %bitcast_convert_type3A_144 = tpu.bitcast %shift_left3A_143 : vector<128x2688xi32> -> vector<128x2688xf32>
    %bitcast_convert_type3A_145 = tpu.bitcast %mul3A_87 : vector<128x2688xf32> -> vector<128x2688xi32>
    %shift_right_logical3A_146 = arith.constant 16 : i32
    %shift_right_logical3A_147 = vector.broadcast %shift_right_logical3A_146 : i32 to vector<128x2688xi32>
    %shift_right_logical3A_148 = arith.shrui %bitcast_convert_type3A_145, %shift_right_logical3A_147 : vector<128x2688xi32>
    %and3A_149 = arith.constant 1 : i32
    %and3A_150 = vector.broadcast %and3A_149 : i32 to vector<128x2688xi32>
    %and3A_151 = arith.andi %shift_right_logical3A_148, %and3A_150 : vector<128x2688xi32>
    %add3A_152 = arith.constant 32767 : i32
    %add3A_153 = vector.broadcast %add3A_152 : i32 to vector<128x2688xi32>
    %add3A_154 = arith.addi %bitcast_convert_type3A_145, %add3A_153 : vector<128x2688xi32>
    %add3A_155 = arith.addi %add3A_154, %and3A_151 : vector<128x2688xi32>
    %shift_right_logical3A_156 = arith.constant 16 : i32
    %shift_right_logical3A_157 = vector.broadcast %shift_right_logical3A_156 : i32 to vector<128x2688xi32>
    %shift_right_logical3A_158 = arith.shrui %add3A_155, %shift_right_logical3A_157 : vector<128x2688xi32>
    %shift_left3A_159 = arith.constant 16 : i32
    %shift_left3A_160 = vector.broadcast %shift_left3A_159 : i32 to vector<128x2688xi32>
    %shift_left3A_161 = arith.shli %shift_right_logical3A_158, %shift_left3A_160 : vector<128x2688xi32>
    %bitcast_convert_type3A_162 = tpu.bitcast %shift_left3A_161 : vector<128x2688xi32> -> vector<128x2688xf32>
    %mul3A_163 = vector.broadcast %bitcast_convert_type3A_108 : vector<128x1xf32> to vector<128x2688xf32>
    %mul3A_164 = arith.mulf %bitcast_convert_type3A_144, %mul3A_163 : vector<128x2688xf32>
    %mul3A_165 = vector.broadcast %bitcast_convert_type3A_126 : vector<128x1xf32> to vector<128x2688xf32>
    %mul3A_166 = arith.mulf %bitcast_convert_type3A_162, %mul3A_165 : vector<128x2688xf32>
    %abs3A = math.absf %mul3A_164 : vector<128x2688xf32>
    %abs3A_167 = math.absf %mul3A_166 : vector<128x2688xf32>
    %ge3A = arith.cmpf oge, %abs3A, %abs3A_167 : vector<128x2688xf32>
    %select_n3A_168 = arith.select %ge3A, %mul3A_164, %mul3A_166 : vector<128x2688xi1>, vector<128x2688xf32>
    %ge3A_169 = arith.cmpf oge, %abs3A, %abs3A_167 : vector<128x2688xf32>
    %select_n3A_170 = arith.select %ge3A_169, %mul3A_166, %mul3A_164 : vector<128x2688xi1>, vector<128x2688xf32>
    %bitcast_convert_type3A_171 = tpu.bitcast %select_n3A_168 : vector<128x2688xf32> -> vector<128x2688xi32>
    %bitcast_convert_type3A_172 = tpu.bitcast %select_n3A_170 : vector<128x2688xf32> -> vector<128x2688xi32>
    %shift_right_logical3A_173 = arith.constant 23 : i32
    %shift_right_logical3A_174 = vector.broadcast %shift_right_logical3A_173 : i32 to vector<128x2688xi32>
    %shift_right_logical3A_175 = arith.shrui %bitcast_convert_type3A_171, %shift_right_logical3A_174 : vector<128x2688xi32>
    %and3A_176 = arith.constant 255 : i32
    %and3A_177 = vector.broadcast %and3A_176 : i32 to vector<128x2688xi32>
    %and3A_178 = arith.andi %shift_right_logical3A_175, %and3A_177 : vector<128x2688xi32>
    %shift_right_logical3A_179 = arith.constant 23 : i32
    %shift_right_logical3A_180 = vector.broadcast %shift_right_logical3A_179 : i32 to vector<128x2688xi32>
    %shift_right_logical3A_181 = arith.shrui %bitcast_convert_type3A_172, %shift_right_logical3A_180 : vector<128x2688xi32>
    %and3A_182 = arith.constant 255 : i32
    %and3A_183 = vector.broadcast %and3A_182 : i32 to vector<128x2688xi32>
    %and3A_184 = arith.andi %shift_right_logical3A_181, %and3A_183 : vector<128x2688xi32>
    %sub3A_185 = arith.subi %and3A_178, %and3A_184 : vector<128x2688xi32>
    %sub3A_186 = arith.constant 4 : i32
    %sub3A_187 = vector.broadcast %sub3A_186 : i32 to vector<128x2688xi32>
    %sub3A_188 = arith.subi %sub3A_185, %sub3A_187 : vector<128x2688xi32>
    %jit3A_189 = arith.constant 0 : i32
    %jit3A_190 = arith.constant 31 : i32
    %max3A = vector.broadcast %jit3A_189 : i32 to vector<128x2688xi32>
    %max3A_191 = arith.maxsi %max3A, %sub3A_188 : vector<128x2688xi32>
    %min3A = vector.broadcast %jit3A_190 : i32 to vector<128x2688xi32>
    %min3A_192 = arith.minsi %min3A, %max3A_191 : vector<128x2688xi32>
    %shift_right_logical3A_193 = arith.shrui %bitcast_convert_type3A_172, %min3A_192 : vector<128x2688xi32>
    %shift_left3A_194 = arith.shli %shift_right_logical3A_193, %min3A_192 : vector<128x2688xi32>
    %gt3A_195 = arith.constant 27 : i32
    %gt3A_196 = vector.broadcast %gt3A_195 : i32 to vector<128x2688xi32>
    %gt3A_197 = arith.cmpi sgt, %sub3A_185, %gt3A_196 : vector<128x2688xi32>
    %jit3A_198 = arith.constant 0 : i32
    %broadcast_in_dim3A = vector.broadcast %jit3A_198 : i32 to vector<128x2688xi32>
    %select_n3A_199 = arith.select %gt3A_197, %broadcast_in_dim3A, %shift_left3A_194 : vector<128x2688xi1>, vector<128x2688xi32>
    %bitcast_convert_type3A_200 = tpu.bitcast %select_n3A_199 : vector<128x2688xi32> -> vector<128x2688xf32>
    %add3A_201 = arith.addf %select_n3A_168, %bitcast_convert_type3A_200 : vector<128x2688xf32>
    %neg3A = arith.constant 0.000000e+00 : f32
    %neg3A_202 = vector.broadcast %neg3A : f32 to vector<128x1xf32>
    %neg3A_203 = arith.subf %neg3A_202, %bitcast_convert_type3A_126 : vector<128x1xf32>
    %mul3A_204 = vector.broadcast %neg3A_203 : vector<128x1xf32> to vector<128x2688xf32>
    %mul3A_205 = arith.mulf %bitcast_convert_type3A_144, %mul3A_204 : vector<128x2688xf32>
    %mul3A_206 = vector.broadcast %bitcast_convert_type3A_108 : vector<128x1xf32> to vector<128x2688xf32>
    %mul3A_207 = arith.mulf %bitcast_convert_type3A_162, %mul3A_206 : vector<128x2688xf32>
    %abs3A_208 = math.absf %mul3A_205 : vector<128x2688xf32>
    %abs3A_209 = math.absf %mul3A_207 : vector<128x2688xf32>
    %ge3A_210 = arith.cmpf oge, %abs3A_208, %abs3A_209 : vector<128x2688xf32>
    %select_n3A_211 = arith.select %ge3A_210, %mul3A_205, %mul3A_207 : vector<128x2688xi1>, vector<128x2688xf32>
    %ge3A_212 = arith.cmpf oge, %abs3A_208, %abs3A_209 : vector<128x2688xf32>
    %select_n3A_213 = arith.select %ge3A_212, %mul3A_207, %mul3A_205 : vector<128x2688xi1>, vector<128x2688xf32>
    %bitcast_convert_type3A_214 = tpu.bitcast %select_n3A_211 : vector<128x2688xf32> -> vector<128x2688xi32>
    %bitcast_convert_type3A_215 = tpu.bitcast %select_n3A_213 : vector<128x2688xf32> -> vector<128x2688xi32>
    %shift_right_logical3A_216 = arith.constant 23 : i32
    %shift_right_logical3A_217 = vector.broadcast %shift_right_logical3A_216 : i32 to vector<128x2688xi32>
    %shift_right_logical3A_218 = arith.shrui %bitcast_convert_type3A_214, %shift_right_logical3A_217 : vector<128x2688xi32>
    %and3A_219 = arith.constant 255 : i32
    %and3A_220 = vector.broadcast %and3A_219 : i32 to vector<128x2688xi32>
    %and3A_221 = arith.andi %shift_right_logical3A_218, %and3A_220 : vector<128x2688xi32>
    %shift_right_logical3A_222 = arith.constant 23 : i32
    %shift_right_logical3A_223 = vector.broadcast %shift_right_logical3A_222 : i32 to vector<128x2688xi32>
    %shift_right_logical3A_224 = arith.shrui %bitcast_convert_type3A_215, %shift_right_logical3A_223 : vector<128x2688xi32>
    %and3A_225 = arith.constant 255 : i32
    %and3A_226 = vector.broadcast %and3A_225 : i32 to vector<128x2688xi32>
    %and3A_227 = arith.andi %shift_right_logical3A_224, %and3A_226 : vector<128x2688xi32>
    %sub3A_228 = arith.subi %and3A_221, %and3A_227 : vector<128x2688xi32>
    %sub3A_229 = arith.constant 4 : i32
    %sub3A_230 = vector.broadcast %sub3A_229 : i32 to vector<128x2688xi32>
    %sub3A_231 = arith.subi %sub3A_228, %sub3A_230 : vector<128x2688xi32>
    %jit3A_232 = arith.constant 0 : i32
    %jit3A_233 = arith.constant 31 : i32
    %max3A_234 = vector.broadcast %jit3A_232 : i32 to vector<128x2688xi32>
    %max3A_235 = arith.maxsi %max3A_234, %sub3A_231 : vector<128x2688xi32>
    %min3A_236 = vector.broadcast %jit3A_233 : i32 to vector<128x2688xi32>
    %min3A_237 = arith.minsi %min3A_236, %max3A_235 : vector<128x2688xi32>
    %shift_right_logical3A_238 = arith.shrui %bitcast_convert_type3A_215, %min3A_237 : vector<128x2688xi32>
    %shift_left3A_239 = arith.shli %shift_right_logical3A_238, %min3A_237 : vector<128x2688xi32>
    %gt3A_240 = arith.constant 27 : i32
    %gt3A_241 = vector.broadcast %gt3A_240 : i32 to vector<128x2688xi32>
    %gt3A_242 = arith.cmpi sgt, %sub3A_228, %gt3A_241 : vector<128x2688xi32>
    %jit3A_243 = arith.constant 0 : i32
    %broadcast_in_dim3A_244 = vector.broadcast %jit3A_243 : i32 to vector<128x2688xi32>
    %select_n3A_245 = arith.select %gt3A_242, %broadcast_in_dim3A_244, %shift_left3A_239 : vector<128x2688xi1>, vector<128x2688xi32>
    %bitcast_convert_type3A_246 = tpu.bitcast %select_n3A_245 : vector<128x2688xi32> -> vector<128x2688xf32>
    %add3A_247 = arith.addf %select_n3A_211, %bitcast_convert_type3A_246 : vector<128x2688xf32>
    %bitcast_convert_type3A_248 = tpu.bitcast %slice3A : vector<128x1xf32> -> vector<128x1xi32>
    %shift_right_logical3A_249 = arith.constant 16 : i32
    %shift_right_logical3A_250 = vector.broadcast %shift_right_logical3A_249 : i32 to vector<128x1xi32>
    %shift_right_logical3A_251 = arith.shrui %bitcast_convert_type3A_248, %shift_right_logical3A_250 : vector<128x1xi32>
    %and3A_252 = arith.constant 1 : i32
    %and3A_253 = vector.broadcast %and3A_252 : i32 to vector<128x1xi32>
    %and3A_254 = arith.andi %shift_right_logical3A_251, %and3A_253 : vector<128x1xi32>
    %add3A_255 = arith.constant 32767 : i32
    %add3A_256 = vector.broadcast %add3A_255 : i32 to vector<128x1xi32>
    %add3A_257 = arith.addi %bitcast_convert_type3A_248, %add3A_256 : vector<128x1xi32>
    %add3A_258 = arith.addi %add3A_257, %and3A_254 : vector<128x1xi32>
    %shift_right_logical3A_259 = arith.constant 16 : i32
    %shift_right_logical3A_260 = vector.broadcast %shift_right_logical3A_259 : i32 to vector<128x1xi32>
    %shift_right_logical3A_261 = arith.shrui %add3A_258, %shift_right_logical3A_260 : vector<128x1xi32>
    %shift_left3A_262 = arith.constant 16 : i32
    %shift_left3A_263 = vector.broadcast %shift_left3A_262 : i32 to vector<128x1xi32>
    %shift_left3A_264 = arith.shli %shift_right_logical3A_261, %shift_left3A_263 : vector<128x1xi32>
    %bitcast_convert_type3A_265 = tpu.bitcast %shift_left3A_264 : vector<128x1xi32> -> vector<128x1xf32>
    %mul3A_266 = arith.mulf %bitcast_convert_type3A_265, %bitcast_convert_type3A_108 : vector<128x1xf32>
    %bitcast_convert_type3A_267 = tpu.bitcast %slice3A_4 : vector<128x1xf32> -> vector<128x1xi32>
    %shift_right_logical3A_268 = arith.constant 16 : i32
    %shift_right_logical3A_269 = vector.broadcast %shift_right_logical3A_268 : i32 to vector<128x1xi32>
    %shift_right_logical3A_270 = arith.shrui %bitcast_convert_type3A_267, %shift_right_logical3A_269 : vector<128x1xi32>
    %and3A_271 = arith.constant 1 : i32
    %and3A_272 = vector.broadcast %and3A_271 : i32 to vector<128x1xi32>
    %and3A_273 = arith.andi %shift_right_logical3A_270, %and3A_272 : vector<128x1xi32>
    %add3A_274 = arith.constant 32767 : i32
    %add3A_275 = vector.broadcast %add3A_274 : i32 to vector<128x1xi32>
    %add3A_276 = arith.addi %bitcast_convert_type3A_267, %add3A_275 : vector<128x1xi32>
    %add3A_277 = arith.addi %add3A_276, %and3A_273 : vector<128x1xi32>
    %shift_right_logical3A_278 = arith.constant 16 : i32
    %shift_right_logical3A_279 = vector.broadcast %shift_right_logical3A_278 : i32 to vector<128x1xi32>
    %shift_right_logical3A_280 = arith.shrui %add3A_277, %shift_right_logical3A_279 : vector<128x1xi32>
    %shift_left3A_281 = arith.constant 16 : i32
    %shift_left3A_282 = vector.broadcast %shift_left3A_281 : i32 to vector<128x1xi32>
    %shift_left3A_283 = arith.shli %shift_right_logical3A_280, %shift_left3A_282 : vector<128x1xi32>
    %bitcast_convert_type3A_284 = tpu.bitcast %shift_left3A_283 : vector<128x1xi32> -> vector<128x1xf32>
    %mul3A_285 = arith.mulf %bitcast_convert_type3A_284, %bitcast_convert_type3A_126 : vector<128x1xf32>
    %abs3A_286 = math.absf %mul3A_266 : vector<128x1xf32>
    %abs3A_287 = math.absf %mul3A_285 : vector<128x1xf32>
    %ge3A_288 = arith.cmpf oge, %abs3A_286, %abs3A_287 : vector<128x1xf32>
    %select_n3A_289 = arith.select %ge3A_288, %mul3A_266, %mul3A_285 : vector<128x1xi1>, vector<128x1xf32>
    %ge3A_290 = arith.cmpf oge, %abs3A_286, %abs3A_287 : vector<128x1xf32>
    %select_n3A_291 = arith.select %ge3A_290, %mul3A_285, %mul3A_266 : vector<128x1xi1>, vector<128x1xf32>
    %bitcast_convert_type3A_292 = tpu.bitcast %select_n3A_289 : vector<128x1xf32> -> vector<128x1xi32>
    %bitcast_convert_type3A_293 = tpu.bitcast %select_n3A_291 : vector<128x1xf32> -> vector<128x1xi32>
    %shift_right_logical3A_294 = arith.constant 23 : i32
    %shift_right_logical3A_295 = vector.broadcast %shift_right_logical3A_294 : i32 to vector<128x1xi32>
    %shift_right_logical3A_296 = arith.shrui %bitcast_convert_type3A_292, %shift_right_logical3A_295 : vector<128x1xi32>
    %and3A_297 = arith.constant 255 : i32
    %and3A_298 = vector.broadcast %and3A_297 : i32 to vector<128x1xi32>
    %and3A_299 = arith.andi %shift_right_logical3A_296, %and3A_298 : vector<128x1xi32>
    %shift_right_logical3A_300 = arith.constant 23 : i32
    %shift_right_logical3A_301 = vector.broadcast %shift_right_logical3A_300 : i32 to vector<128x1xi32>
    %shift_right_logical3A_302 = arith.shrui %bitcast_convert_type3A_293, %shift_right_logical3A_301 : vector<128x1xi32>
    %and3A_303 = arith.constant 255 : i32
    %and3A_304 = vector.broadcast %and3A_303 : i32 to vector<128x1xi32>
    %and3A_305 = arith.andi %shift_right_logical3A_302, %and3A_304 : vector<128x1xi32>
    %sub3A_306 = arith.subi %and3A_299, %and3A_305 : vector<128x1xi32>
    %sub3A_307 = arith.constant 4 : i32
    %sub3A_308 = vector.broadcast %sub3A_307 : i32 to vector<128x1xi32>
    %sub3A_309 = arith.subi %sub3A_306, %sub3A_308 : vector<128x1xi32>
    %jit3A_310 = arith.constant 0 : i32
    %jit3A_311 = arith.constant 31 : i32
    %max3A_312 = vector.broadcast %jit3A_310 : i32 to vector<128x1xi32>
    %max3A_313 = arith.maxsi %max3A_312, %sub3A_309 : vector<128x1xi32>
    %min3A_314 = vector.broadcast %jit3A_311 : i32 to vector<128x1xi32>
    %min3A_315 = arith.minsi %min3A_314, %max3A_313 : vector<128x1xi32>
    %shift_right_logical3A_316 = arith.shrui %bitcast_convert_type3A_293, %min3A_315 : vector<128x1xi32>
    %shift_left3A_317 = arith.shli %shift_right_logical3A_316, %min3A_315 : vector<128x1xi32>
    %gt3A_318 = arith.constant 27 : i32
    %gt3A_319 = vector.broadcast %gt3A_318 : i32 to vector<128x1xi32>
    %gt3A_320 = arith.cmpi sgt, %sub3A_306, %gt3A_319 : vector<128x1xi32>
    %jit3A_321 = arith.constant 0 : i32
    %broadcast_in_dim3A_322 = vector.broadcast %jit3A_321 : i32 to vector<128x1xi32>
    %select_n3A_323 = arith.select %gt3A_320, %broadcast_in_dim3A_322, %shift_left3A_317 : vector<128x1xi1>, vector<128x1xi32>
    %bitcast_convert_type3A_324 = tpu.bitcast %select_n3A_323 : vector<128x1xi32> -> vector<128x1xf32>
    %add3A_325 = arith.addf %select_n3A_289, %bitcast_convert_type3A_324 : vector<128x1xf32>
    %neg3A_326 = arith.constant 0.000000e+00 : f32
    %neg3A_327 = vector.broadcast %neg3A_326 : f32 to vector<128x1xf32>
    %neg3A_328 = arith.subf %neg3A_327, %add3A_325 : vector<128x1xf32>
    %bitcast_convert_type3A_329 = tpu.bitcast %slice3A : vector<128x1xf32> -> vector<128x1xi32>
    %shift_right_logical3A_330 = arith.constant 16 : i32
    %shift_right_logical3A_331 = vector.broadcast %shift_right_logical3A_330 : i32 to vector<128x1xi32>
    %shift_right_logical3A_332 = arith.shrui %bitcast_convert_type3A_329, %shift_right_logical3A_331 : vector<128x1xi32>
    %and3A_333 = arith.constant 1 : i32
    %and3A_334 = vector.broadcast %and3A_333 : i32 to vector<128x1xi32>
    %and3A_335 = arith.andi %shift_right_logical3A_332, %and3A_334 : vector<128x1xi32>
    %add3A_336 = arith.constant 32767 : i32
    %add3A_337 = vector.broadcast %add3A_336 : i32 to vector<128x1xi32>
    %add3A_338 = arith.addi %bitcast_convert_type3A_329, %add3A_337 : vector<128x1xi32>
    %add3A_339 = arith.addi %add3A_338, %and3A_335 : vector<128x1xi32>
    %shift_right_logical3A_340 = arith.constant 16 : i32
    %shift_right_logical3A_341 = vector.broadcast %shift_right_logical3A_340 : i32 to vector<128x1xi32>
    %shift_right_logical3A_342 = arith.shrui %add3A_339, %shift_right_logical3A_341 : vector<128x1xi32>
    %shift_left3A_343 = arith.constant 16 : i32
    %shift_left3A_344 = vector.broadcast %shift_left3A_343 : i32 to vector<128x1xi32>
    %shift_left3A_345 = arith.shli %shift_right_logical3A_342, %shift_left3A_344 : vector<128x1xi32>
    %bitcast_convert_type3A_346 = tpu.bitcast %shift_left3A_345 : vector<128x1xi32> -> vector<128x1xf32>
    %neg3A_347 = arith.constant 0.000000e+00 : f32
    %neg3A_348 = vector.broadcast %neg3A_347 : f32 to vector<128x1xf32>
    %neg3A_349 = arith.subf %neg3A_348, %bitcast_convert_type3A_126 : vector<128x1xf32>
    %mul3A_350 = arith.mulf %bitcast_convert_type3A_346, %neg3A_349 : vector<128x1xf32>
    %bitcast_convert_type3A_351 = tpu.bitcast %slice3A_4 : vector<128x1xf32> -> vector<128x1xi32>
    %shift_right_logical3A_352 = arith.constant 16 : i32
    %shift_right_logical3A_353 = vector.broadcast %shift_right_logical3A_352 : i32 to vector<128x1xi32>
    %shift_right_logical3A_354 = arith.shrui %bitcast_convert_type3A_351, %shift_right_logical3A_353 : vector<128x1xi32>
    %and3A_355 = arith.constant 1 : i32
    %and3A_356 = vector.broadcast %and3A_355 : i32 to vector<128x1xi32>
    %and3A_357 = arith.andi %shift_right_logical3A_354, %and3A_356 : vector<128x1xi32>
    %add3A_358 = arith.constant 32767 : i32
    %add3A_359 = vector.broadcast %add3A_358 : i32 to vector<128x1xi32>
    %add3A_360 = arith.addi %bitcast_convert_type3A_351, %add3A_359 : vector<128x1xi32>
    %add3A_361 = arith.addi %add3A_360, %and3A_357 : vector<128x1xi32>
    %shift_right_logical3A_362 = arith.constant 16 : i32
    %shift_right_logical3A_363 = vector.broadcast %shift_right_logical3A_362 : i32 to vector<128x1xi32>
    %shift_right_logical3A_364 = arith.shrui %add3A_361, %shift_right_logical3A_363 : vector<128x1xi32>
    %shift_left3A_365 = arith.constant 16 : i32
    %shift_left3A_366 = vector.broadcast %shift_left3A_365 : i32 to vector<128x1xi32>
    %shift_left3A_367 = arith.shli %shift_right_logical3A_364, %shift_left3A_366 : vector<128x1xi32>
    %bitcast_convert_type3A_368 = tpu.bitcast %shift_left3A_367 : vector<128x1xi32> -> vector<128x1xf32>
    %mul3A_369 = arith.mulf %bitcast_convert_type3A_368, %bitcast_convert_type3A_108 : vector<128x1xf32>
    %abs3A_370 = math.absf %mul3A_350 : vector<128x1xf32>
    %abs3A_371 = math.absf %mul3A_369 : vector<128x1xf32>
    %ge3A_372 = arith.cmpf oge, %abs3A_370, %abs3A_371 : vector<128x1xf32>
    %select_n3A_373 = arith.select %ge3A_372, %mul3A_350, %mul3A_369 : vector<128x1xi1>, vector<128x1xf32>
    %ge3A_374 = arith.cmpf oge, %abs3A_370, %abs3A_371 : vector<128x1xf32>
    %select_n3A_375 = arith.select %ge3A_374, %mul3A_369, %mul3A_350 : vector<128x1xi1>, vector<128x1xf32>
    %bitcast_convert_type3A_376 = tpu.bitcast %select_n3A_373 : vector<128x1xf32> -> vector<128x1xi32>
    %bitcast_convert_type3A_377 = tpu.bitcast %select_n3A_375 : vector<128x1xf32> -> vector<128x1xi32>
    %shift_right_logical3A_378 = arith.constant 23 : i32
    %shift_right_logical3A_379 = vector.broadcast %shift_right_logical3A_378 : i32 to vector<128x1xi32>
    %shift_right_logical3A_380 = arith.shrui %bitcast_convert_type3A_376, %shift_right_logical3A_379 : vector<128x1xi32>
    %and3A_381 = arith.constant 255 : i32
    %and3A_382 = vector.broadcast %and3A_381 : i32 to vector<128x1xi32>
    %and3A_383 = arith.andi %shift_right_logical3A_380, %and3A_382 : vector<128x1xi32>
    %shift_right_logical3A_384 = arith.constant 23 : i32
    %shift_right_logical3A_385 = vector.broadcast %shift_right_logical3A_384 : i32 to vector<128x1xi32>
    %shift_right_logical3A_386 = arith.shrui %bitcast_convert_type3A_377, %shift_right_logical3A_385 : vector<128x1xi32>
    %and3A_387 = arith.constant 255 : i32
    %and3A_388 = vector.broadcast %and3A_387 : i32 to vector<128x1xi32>
    %and3A_389 = arith.andi %shift_right_logical3A_386, %and3A_388 : vector<128x1xi32>
    %sub3A_390 = arith.subi %and3A_383, %and3A_389 : vector<128x1xi32>
    %sub3A_391 = arith.constant 4 : i32
    %sub3A_392 = vector.broadcast %sub3A_391 : i32 to vector<128x1xi32>
    %sub3A_393 = arith.subi %sub3A_390, %sub3A_392 : vector<128x1xi32>
    %jit3A_394 = arith.constant 0 : i32
    %jit3A_395 = arith.constant 31 : i32
    %max3A_396 = vector.broadcast %jit3A_394 : i32 to vector<128x1xi32>
    %max3A_397 = arith.maxsi %max3A_396, %sub3A_393 : vector<128x1xi32>
    %min3A_398 = vector.broadcast %jit3A_395 : i32 to vector<128x1xi32>
    %min3A_399 = arith.minsi %min3A_398, %max3A_397 : vector<128x1xi32>
    %shift_right_logical3A_400 = arith.shrui %bitcast_convert_type3A_377, %min3A_399 : vector<128x1xi32>
    %shift_left3A_401 = arith.shli %shift_right_logical3A_400, %min3A_399 : vector<128x1xi32>
    %gt3A_402 = arith.constant 27 : i32
    %gt3A_403 = vector.broadcast %gt3A_402 : i32 to vector<128x1xi32>
    %gt3A_404 = arith.cmpi sgt, %sub3A_390, %gt3A_403 : vector<128x1xi32>
    %jit3A_405 = arith.constant 0 : i32
    %broadcast_in_dim3A_406 = vector.broadcast %jit3A_405 : i32 to vector<128x1xi32>
    %select_n3A_407 = arith.select %gt3A_404, %broadcast_in_dim3A_406, %shift_left3A_401 : vector<128x1xi1>, vector<128x1xi32>
    %bitcast_convert_type3A_408 = tpu.bitcast %select_n3A_407 : vector<128x1xi32> -> vector<128x1xf32>
    %add3A_409 = arith.addf %select_n3A_373, %bitcast_convert_type3A_408 : vector<128x1xf32>
    %neg3A_410 = arith.constant 0.000000e+00 : f32
    %neg3A_411 = vector.broadcast %neg3A_410 : f32 to vector<128x1xf32>
    %neg3A_412 = arith.subf %neg3A_411, %add3A_409 : vector<128x1xf32>
    %add3A_413 = vector.broadcast %neg3A_328 : vector<128x1xf32> to vector<128x2688xf32>
    %add3A_414 = arith.addf %add3A_201, %add3A_413 : vector<128x2688xf32>
    %add3A_415 = vector.broadcast %neg3A_412 : vector<128x1xf32> to vector<128x2688xf32>
    %add3A_416 = arith.addf %add3A_247, %add3A_415 : vector<128x2688xf32>
    %abs3A_417 = math.absf %add3A_414 : vector<128x2688xf32>
    %le3A = vector.broadcast %slice3A_5 : vector<128x1xf32> to vector<128x2688xf32>
    %le3A_418 = arith.cmpf ole, %abs3A_417, %le3A : vector<128x2688xf32>
    %abs3A_419 = math.absf %add3A_416 : vector<128x2688xf32>
    %le3A_420 = vector.broadcast %slice3A_6 : vector<128x1xf32> to vector<128x2688xf32>
    %le3A_421 = arith.cmpf ole, %abs3A_419, %le3A_420 : vector<128x2688xf32>
    %and3A_422 = arith.andi %le3A_418, %le3A_421 : vector<128x2688xi1>
    %le3A_423 = arith.constant 0.000000e+00 : f32
    %le3A_424 = vector.broadcast %le3A_423 : f32 to vector<128x1xf32>
    %le3A_425 = arith.cmpf ole, %le3A_424, %slice3A_7 : vector<128x1xf32>
    %and3A_426 = vector.broadcast %le3A_425 : vector<128x1xi1> to vector<128x2688xi1>
    %and3A_427 = arith.andi %and3A_422, %and3A_426 : vector<128x2688xi1>
    %and3A_428 = vector.broadcast %gt3A_12 : vector<128x1xi1> to vector<128x2688xi1>
    %and3A_429 = arith.andi %and3A_427, %and3A_428 : vector<128x2688xi1>
    %lt3A_430 = arith.constant 2601 : i32
    %lt3A_431 = vector.broadcast %lt3A_430 : i32 to vector<128x2688xi32>
    %lt3A_432 = arith.cmpi slt, %iota3A, %lt3A_431 : vector<128x2688xi32>
    %and3A_433 = arith.andi %and3A_429, %lt3A_432 : vector<128x2688xi1>
    %mul3A_434 = arith.mulf %add3A_414, %add3A_414 : vector<128x2688xf32>
    %mul3A_435 = arith.constant -5.000000e-01 : f32
    %mul3A_436 = vector.broadcast %mul3A_435 : f32 to vector<128x2688xf32>
    %mul3A_437 = arith.mulf %mul3A_434, %mul3A_436 : vector<128x2688xf32>
    %mul3A_438 = arith.mulf %add3A_416, %add3A_416 : vector<128x2688xf32>
    %mul3A_439 = arith.constant -5.000000e-01 : f32
    %mul3A_440 = vector.broadcast %mul3A_439 : f32 to vector<128x2688xf32>
    %mul3A_441 = arith.mulf %mul3A_438, %mul3A_440 : vector<128x2688xf32>
    %add3A_442 = arith.addf %mul3A_437, %mul3A_441 : vector<128x2688xf32>
    %exp3A = math.exp %add3A_442 : vector<128x2688xf32>
    %div3A_443 = arith.constant 3.200000e-01 : f32
    %div3A_444 = vector.broadcast %div3A_443 : f32 to vector<128x2688xf32>
    %div3A_445 = arith.divf %mul3A_83, %div3A_444 : vector<128x2688xf32>
    %round3A_446 = math.roundeven %div3A_445 : vector<128x2688xf32>
    %convert_element_type3A_447 = arith.fptosi %round3A_446 : vector<128x2688xf32> to vector<128x2688xi32>
    %add3A_448 = arith.constant 256 : i32
    %add3A_449 = vector.broadcast %add3A_448 : i32 to vector<128x2688xi32>
    %add3A_450 = arith.addi %convert_element_type3A_447, %add3A_449 : vector<128x2688xi32>
    %div3A_451 = arith.constant 3.200000e-01 : f32
    %div3A_452 = vector.broadcast %div3A_451 : f32 to vector<128x2688xf32>
    %div3A_453 = arith.divf %mul3A_87, %div3A_452 : vector<128x2688xf32>
    %round3A_454 = math.roundeven %div3A_453 : vector<128x2688xf32>
    %convert_element_type3A_455 = arith.fptosi %round3A_454 : vector<128x2688xf32> to vector<128x2688xi32>
    %add3A_456 = arith.constant 256 : i32
    %add3A_457 = vector.broadcast %add3A_456 : i32 to vector<128x2688xi32>
    %add3A_458 = arith.addi %convert_element_type3A_455, %add3A_457 : vector<128x2688xi32>
    %ge3A_459 = arith.constant 0 : i32
    %ge3A_460 = vector.broadcast %ge3A_459 : i32 to vector<128x2688xi32>
    %ge3A_461 = arith.cmpi sge, %add3A_450, %ge3A_460 : vector<128x2688xi32>
    %lt3A_462 = arith.constant 512 : i32
    %lt3A_463 = vector.broadcast %lt3A_462 : i32 to vector<128x2688xi32>
    %lt3A_464 = arith.cmpi slt, %add3A_450, %lt3A_463 : vector<128x2688xi32>
    %and3A_465 = arith.andi %ge3A_461, %lt3A_464 : vector<128x2688xi1>
    %ge3A_466 = arith.constant 0 : i32
    %ge3A_467 = vector.broadcast %ge3A_466 : i32 to vector<128x2688xi32>
    %ge3A_468 = arith.cmpi sge, %add3A_458, %ge3A_467 : vector<128x2688xi32>
    %and3A_469 = arith.andi %and3A_465, %ge3A_468 : vector<128x2688xi1>
    %lt3A_470 = arith.constant 512 : i32
    %lt3A_471 = vector.broadcast %lt3A_470 : i32 to vector<128x2688xi32>
    %lt3A_472 = arith.cmpi slt, %add3A_458, %lt3A_471 : vector<128x2688xi32>
    %and3A_473 = arith.andi %and3A_469, %lt3A_472 : vector<128x2688xi1>
    %eq3A_474 = arith.constant 0 : i32
    %eq3A_475 = vector.broadcast %eq3A_474 : i32 to vector<128x1xi32>
    %eq3A_476 = arith.cmpi eq, %convert_element_type3A_93, %eq3A_475 : vector<128x1xi32>
    %and3A_477 = vector.broadcast %eq3A_476 : vector<128x1xi1> to vector<128x2688xi1>
    %and3A_478 = arith.andi %and3A_473, %and3A_477 : vector<128x2688xi1>
    %and3A_479 = arith.andi %and3A_433, %and3A_478 : vector<128x2688xi1>
    %mul3A_480 = arith.constant 512 : i32
    %mul3A_481 = vector.broadcast %mul3A_480 : i32 to vector<128x2688xi32>
    %mul3A_482 = arith.muli %add3A_450, %mul3A_481 : vector<128x2688xi32>
    %add3A_483 = arith.addi %mul3A_482, %add3A_458 : vector<128x2688xi32>
    %add3A_484 = vector.broadcast %convert_element_type3A_93 : vector<128x1xi32> to vector<128x2688xi32>
    %add3A_485 = arith.addi %add3A_483, %add3A_484 : vector<128x2688xi32>
    %jit3A_486 = arith.constant 262144 : i32
    %broadcast_in_dim3A_487 = vector.broadcast %jit3A_486 : i32 to vector<128x2688xi32>
    %select_n3A_488 = arith.select %and3A_479, %add3A_485, %broadcast_in_dim3A_487 : vector<128x2688xi1>, vector<128x2688xi32>
    %swap3A = arith.constant 0 : index
    %swap3A_489 = arith.constant 0 : index
    %swap3A_490 = arith.constant 0 : index
    %swap3A_491 = vector.load %arg2[%swap3A, %swap3A_489, %swap3A_490] : memref<1x128x2688xi32, #tpu.memory_space<vmem>>, vector<1x128x2688xi32>
    %swap3A_492 = vector.shape_cast %swap3A_491 : vector<1x128x2688xi32> to vector<128x2688xi32>
    %swap3A_493 = vector.shape_cast %select_n3A_488 : vector<128x2688xi32> to vector<1x128x2688xi32>
    tpu.vector_store %arg2[%swap3A, %swap3A_489, %swap3A_490], %swap3A_493 {strides = array<i32>} : memref<1x128x2688xi32, #tpu.memory_space<vmem>>, vector<1x128x2688xi32>,
    %swap3A_494 = arith.constant 0 : index
    %swap3A_495 = arith.constant 0 : index
    %swap3A_496 = arith.constant 0 : index
    %swap3A_497 = vector.load %arg3[%swap3A_494, %swap3A_495, %swap3A_496] : memref<1x128x2688xf32, #tpu.memory_space<vmem>>, vector<1x128x2688xf32>
    %swap3A_498 = vector.shape_cast %swap3A_497 : vector<1x128x2688xf32> to vector<128x2688xf32>
    %swap3A_499 = vector.shape_cast %exp3A : vector<128x2688xf32> to vector<1x128x2688xf32>
    tpu.vector_store %arg3[%swap3A_494, %swap3A_495, %swap3A_496], %swap3A_499 {strides = array<i32>} : memref<1x128x2688xf32, #tpu.memory_space<vmem>>, vector<1x128x2688xf32>,
    return
  }
  func.func @transform_0(%arg0: i32) -> (i32, i32, i32) {
    %c0_i32 = arith.constant 0 : i32
    %c0_i32_0 = arith.constant 0 : i32
    %c0_i32_1 = arith.constant 0 : i32
    return %arg0, %c0_i32, %c0_i32_0 : i32, i32, i32
  }
  func.func @transform_1(%arg0: i32) -> (i32, i32, i32) {
    %c0_i32 = arith.constant 0 : i32
    %c0_i32_0 = arith.constant 0 : i32
    %c0_i32_1 = arith.constant 0 : i32
    return %arg0, %c0_i32, %c0_i32_0 : i32, i32, i32
  }
  func.func @transform_2(%arg0: i32) -> (i32, i32, i32) {
    %c0_i32 = arith.constant 0 : i32
    %c0_i32_0 = arith.constant 0 : i32
    %c0_i32_1 = arith.constant 0 : i32
    return %arg0, %c0_i32, %c0_i32_0 : i32, i32, i32
  }
}

</mosaic_0001>

<sc_bundles>
// kernel: gather_offload_async_start
scs
__scs_entry_jumppad:
0x0: {  	(pc) =	sbr.rel $0x88, $3  }
0x1: {  	(tag) =	ssettag $0x0;
	lr =	simm.s32 $0x1  }
0x2: {  	[smem:$0x3F9E] =	sst lr;
	_ =	strace $0xD0000000  }
0x3: {  	_ = 	snop  }
0x4: {  	_ = 	snop  }
0x5: {  	_ = 	snop  }
0x6: {  	_ = 	snop  }
0x7: {  	_ = 	snop  }
__scs_overlays_trampoline_lowered:
0x8: {  	[smem:$0x3FAD] =	sst s0  }
0x9: {  	[smem:$0x3FAE] =	sst s1  }
0xa: {  	[smem:$0x3FAF] =	sst s2  }
0xb: {  	[smem:$0x3FB0] =	sst s3  }
0xc: {  	[smem:$0x3FB1] =	sst s4  }
0xd: {  	[smem:$0x3FB2] =	sst s5  }
0xe: {  	[smem:$0x3FB3] =	sst s6  }
0xf: {  	[smem:$0x3FB4] =	sst s7  }
0x10: {  	[smem:$0x3FB5] =	sst s8  }
0x11: {  	[smem:$0x3FB6] =	sst s9;
	s0 =	simm.s32 @!p0 $0x0  }
0x12: {  	s1 =	sld [smem:$0x3F9C];
	s0 =	simm.s32 @p0 $0x1  }
0x13: {  	[smem:$0x3FB7] =	sst s0;
	s0 =	simm.s32 @!p1 $0x0  }
0x14: {  	s2 =	sld [smem:$0x3F9B];
	s0 =	simm.s32 @p1 $0x1  }
0x15: {  	[smem:$0x3FB8] =	sst s0;
	s0 =	simm.s32 @!p2 $0x0  }
0x16: {  	s3 =	sld [smem:$0x3FDB];
	s0 =	simm.s32 @p2 $0x1  }
0x17: {  	s4 =	simm.s32 $0x1BF5;
	[smem:$0x3FBA] =	sst s0  }
0x18: {  	s0 =	sld [smem:$0x3F9D];
	_ =	swait.ge [sflag:s4], $0x0  }
0x19: {  	s7 =	sld [smem:$0x3F9E]  }
0x1a: {  	s8 =	sadd.s32 $0xFFFFE003, lr  }
0x1b: {  	s9 =	sadd.s32 $0xFFFFFEF7, lr;
	s5 =	simm.s32 $0xFFFFFFFF;
	p2 =	slt.u32 s8, $0xFFFFF086  }
0x1c: {  	p1 =	slt.u32 s9, $0xF7A;
	s5 =	simm.s32 @!p2 $0x0  }
0x1d: {  	s5 =	simm.s32 @p1 $0x1;
	p0 =	seq.s32 s7, s2  }
0x1e: {  	s7 =	smul.u32 @!p0 $0xF7A, s2;
	p2 =	seq.s32 @!p0 s5, $0x0  }
0x1f: {  	s9 =	smul.u32 $0xF7A, s1;
	s8 =	simm.s32 @!p0 $0x1BF5;
	p2 =	por !p2, p0  }
0x20: {  	[sflag:s8] =	ssyncset.s32 @!p0 $0xFFFFF086;
	s6 =	sadd.s32 @!p0 s3, s7;
	s7 =	simm.s32 @!p0 $0x108  }
0x21: {  	s3 =	sadd.s32 s3, s9;
	s6 =	sadd.s32 @!p0 $0x88, s6;
	s7 =	simm.s32 @p2 $0x1082  }
0x22: {  	[simem:s7], [sflag:s8] =	dma.local @!p0 [hbm:s6], $0xF7A  }
0x23: {  	s9 =	sor.u32 $0xD0000000, s2;
	s6 =	simm.s32 $0x108;
	_ =	swait.ge @!p0 [sflag:s8], $0x0  }
0x24: {  	s3 =	sadd.s32 $0x88, s3;
	s6 =	simm.s32 @!p1 $0x1082;
	[sflag:s4] =	ssyncset.s32 $0xFFFFF086  }
0x25: {  	[simem:s6], [sflag:s4] =	dma.local [hbm:s3], $0xF7A  }
0x26: {  	[smem:$0x3F9E] =	sst s1;
	(tag) =	ssettag s2;
	_ =	strace s9  }
0x27: {  	s1 =	sld [smem:$0x3FAE]  }
0x28: {  	s2 =	sld [smem:$0x3FAF]  }
0x29: {  	s4 =	sld [smem:$0x3FB1]  }
0x2a: {  	p0 =	seq.s32 s5, $0x0;
	s5 =	sld [smem:$0x3FB2]  }
0x2b: {  	s6 =	sld [smem:$0x3FB3]  }
0x2c: {  	s7 =	sld [smem:$0x3FB4]  }
0x2d: {  	s3 =	simm.s32 $0x108;
	s8 =	sld [smem:$0x3FB5]  }
0x2e: {  	s3 =	simm.s32 @!p0 $0x1082;
	s9 =	sld [smem:$0x3FB6]  }
0x2f: {  	lr =	sadd.s32 s0, s3;
	s0 =	sld [smem:$0x3FAD]  }
0x30: {  	s3 =	sld [smem:$0x3FB0]  }
0x31: {  	[smem:$0x3FB9] =	sst s10  }
0x32: {  	s10 =	sld [smem:$0x3FB7];
	_ =	sdelay $0x3  }
0x33: {  	p0 =	seq.s32 s10, $0x1;
	s10 =	sld [smem:$0x3FB9];
	_ =	sdelay $0x3  }
0x34: {  	[smem:$0x3FB9] =	sst s10  }
0x35: {  	s10 =	sld [smem:$0x3FB8];
	_ =	sdelay $0x3  }
0x36: {  	p1 =	seq.s32 s10, $0x1;
	s10 =	sld [smem:$0x3FB9];
	_ =	sdelay $0x3  }
0x37: {  	[smem:$0x3FB9] =	sst s10  }
0x38: {  	s10 =	sld [smem:$0x3FBA]  }
0x39: {  	_ = 	snop;
	(pc) =	sbr.ind lr, $3  }
0x3a: {  	_ = 	snop  }
0x3b: {  	_ = 	snop  }
0x3c: {  	p2 =	seq.s32 s10, $0x1;
	s10 =	sld [smem:$0x3FB9]  }
0x3d: {  	_ =	shalt  }
0x3e: {  	_ =	shalt  }
0x3f: {  	_ =	shalt  }
0x40: {  	_ =	shalt  }
0x41: {  	_ =	shalt  }
0x42: {  	_ =	shalt  }
0x43: {  	_ =	shalt  }
0x44: {  	_ =	shalt  }
0x45: {  	_ =	shalt  }
0x46: {  	_ =	shalt  }
0x47: {  	_ =	shalt  }
0x48: {  	_ =	shalt  }
0x49: {  	_ =	shalt  }
0x4a: {  	_ =	shalt  }
0x4b: {  	_ =	shalt  }
0x4c: {  	_ =	shalt  }
0x4d: {  	_ =	shalt  }
0x4e: {  	_ =	shalt  }
0x4f: {  	_ =	shalt  }
0x50: {  	_ =	shalt  }
0x51: {  	_ =	shalt  }
0x52: {  	_ =	shalt  }
0x53: {  	_ =	shalt  }
0x54: {  	_ =	shalt  }
0x55: {  	_ =	shalt  }
0x56: {  	_ =	shalt  }
0x57: {  	_ =	shalt  }
0x58: {  	_ =	shalt  }
0x59: {  	_ =	shalt  }
0x5a: {  	_ =	shalt  }
0x5b: {  	_ =	shalt  }
0x5c: {  	_ =	shalt  }
0x5d: {  	_ =	shalt  }
0x5e: {  	_ =	shalt  }
0x5f: {  	_ =	shalt  }
0x60: {  	_ =	shalt  }
0x61: {  	_ =	shalt  }
0x62: {  	_ =	shalt  }
0x63: {  	_ =	shalt  }
0x64: {  	_ =	shalt  }
0x65: {  	_ =	shalt  }
0x66: {  	_ =	shalt  }
0x67: {  	_ =	shalt  }
0x68: {  	_ =	shalt  }
0x69: {  	_ =	shalt  }
0x6a: {  	_ =	shalt  }
0x6b: {  	_ =	shalt  }
0x6c: {  	_ =	shalt  }
0x6d: {  	_ =	shalt  }
0x6e: {  	_ =	shalt  }
0x6f: {  	_ =	shalt  }
0x70: {  	_ =	shalt  }
0x71: {  	_ =	shalt  }
0x72: {  	_ =	shalt  }
0x73: {  	_ =	shalt  }
0x74: {  	_ =	shalt  }
0x75: {  	_ =	shalt  }
0x76: {  	_ =	shalt  }
0x77: {  	_ =	shalt  }
0x78: {  	_ =	shalt  }
0x79: {  	_ =	shalt  }
0x7a: {  	_ =	shalt  }
0x7b: {  	_ =	shalt  }
0x7c: {  	_ =	shalt  }
0x7d: {  	_ =	shalt  }
0x7e: {  	_ =	shalt  }
0x7f: {  	_ =	shalt  }
0x80: {  	_ =	shalt  }
0x81: {  	_ =	shalt  }
0x82: {  	_ =	shalt  }
0x83: {  	_ =	shalt  }
0x84: {  	_ =	shalt  }
0x85: {  	_ =	shalt  }
0x86: {  	_ =	shalt  }
0x87: {  	_ =	shalt  }
.Lfunc_end0:
.L_simem_size_0:
called_computation.1_lowered:
.L_overlay_start_0:
0x88: {  	s2 =	sld [smem:$0x3FD9]  }
0x89: {  	s3 =	sld [smem:$0x3FFE];
	_ =	sdelay $0x1  }
0x8a: {  	s1 =	srdreg.scid  }
0x8b: {  	s0 =	sand.u32 $0x1, s1  }
0x8c: {  	s14 =	sshll.u32 s0, $0xA;
	s2 =	sadd.s32 s3, s2  }
0x8d: {  	s2 =	sadd.s32 s2, s14  }
0x8e: {  	[smem:$0x3FC5] =	sst s2  }
0x8f: {  	_ = 	snop  }
0x90: {  	s2 =	sld [smem:$0x3FD0];
	_ =	sdelay $0x2  }
0x91: {  	s15 =	simm.s32 $0xA;
	s4 =	simm.s32 $0x10  }
0x92: {  	[smem:s4], [sflag:s15] =	dma.local [hbm:s2], $0x1  }
0x93: {  	_ =	swait.eq [sflag:s15], $0x1  }
0x94: {  	[sflag:s15] =	ssyncset.done $0x0  }
0x95: {  	[sflag:s15] =	ssyncadd.s32 $0xFFFFFFFF  }
0x96: {  	s16 =	sld [smem:$0x10];
	(tm) =	ssettm $0x1  }
0x97: {  	s17 =	sld [smem:$0x3FFB];
	_ =	sdelay $0x3  }
0x98: {  	_ =	strace s17  }
0x99: {  	s3 =	sld [smem:$0x3FFC];
	_ =	sdelay $0x3  }
0x9a: {  	_ =	strace s3  }
0x9b: {  	s3 =	sld [smem:$0x3FFD];
	_ =	sdelay $0x3  }
0x9c: {  	_ =	strace s3  }
0x9d: {  	_ =	strace $0x8FFFFFFF  }
0x9e: {  	s18 =	sld [smem:$0x3FDB];
	_ =	sdelay $0x1  }
0x9f: {  	s19 =	simm.s32 $_scs_section_size  }
0xa0: {  	s5 =	simm.s32 $_size__tile_overlayer_lowered;
	s6 =	simm.s32 $_tile_overlayer_lowered  }
0xa1: {  	s22 =	simm.s32 $0x1BFF;
	s21 =	sshll.u32 s6, $0x1;
	s3 =	sadd.s32 s19, s18  }
0xa2: {  	s7 =	simm.s32 $0x0;
	s20 =	sshll.u32 s5, $0x1;
	s5 =	sadd.s32 s21, s3  }
0xa3: {  	[timem:s7], [sflag:s22] =	dma.local [hbm:s5], s20  }
0xa4: {  	_ =	swait.ge [sflag:s22], s20  }
0xa5: {  	s4 =	ssub.s32 $0x0, s20;
	[sflag:s22] =	ssyncset.done $0x0  }
0xa6: {  	[sflag:s22] =	ssyncadd.s32 s4;
	_ =	sdelay $0x1  }
0xa7: {  	s23 =	simm.s32 $0x1B8B  }
0xa8: {  	_ =	swait.ge [sflag:s23], $0x1  }
0xa9: {  	[sflag:s23] =	ssyncset.done $0x0  }
0xaa: {  	s25 =	simm.s32 $0x1B8E;
	s24 =	sld [smem:$0x3FFE];
	[sflag:s23] =	ssyncadd.s32 $0xFFFFFFFF  }
0xab: {  	s26 =	simm.s32 $execute0_lowered;
	[smem:$0x3FD2] =	sst s25  }
0xac: {  	s5 =	sshll.u32 s26, $0x1;
	_ =	strace $0x80000049;
	[dreg:$0x1] =	wrdreg $0xFFFFFFFF  }
0xad: {  	s28 =	simm.s32 $_size_execute0_lowered;
	s3 =	sadd.s32 s3, s5;
	[dreg:$0x0] =	wrdreg $0x0  }
0xae: {  	s5 =	sshll.u32 s28, $0x1;
	[dreg:$0x2] =	wrdreg s3  }
0xaf: {  	[dreg:$0x3] =	wrdreg s5  }
0xb0: {  	[dreg:$0x4] =	wrdreg $0xC0  }
0xb1: {  	_ =	task [dreg:s7], $0x5FFFF  }
0xb2: {  	[dreg:$0x1] =	wrdreg $0xFFFFFFFF  }
0xb3: {  	[dreg:$0x0] =	wrdreg $0x60  }
0xb4: {  	[dreg:$0x2] =	wrdreg s24  }
0xb5: {  	[dreg:$0x3] =	wrdreg s16  }
0xb6: {  	[dreg:$0x4] =	wrdreg $0x9  }
0xb7: {  	_ =	task.clear_ibuf [dreg:s7], $0x5FFFF;
	_ =	strace $0x90000049  }
0xb8: {  	s29 =	simm.s32 $0x9;
	_ =	strace $0x8000004B  }
0xb9: {  	_ =	swait.ge [sflag:s29], $0x1  }
0xba: {  	[sflag:s29] =	ssyncadd.s32 $0xFFFFFFFF  }
0xbb: {  	_ =	strace $0x9000004B  }
0xbc: {  	_ =	sfence  }
0xbd: {  	s30 =	sld [smem:$0x0];
	_ =	sdelay $0x2  }
0xbe: {  	s31 =	sshll.u32 s1, $0xD;
	s1 =	sshrl.u32 s1, $0x2  }
0xbf: {  	s3 =	sand.u32 $0x4000, s31;
	s1 =	sadd.s32 s1, s30  }
0xc0: {  	s0 =	sor.u32 s3, s0;
	s1 =	sshll.u32 s1, $0x11  }
0xc1: {  	s0 =	sor.u32 s1, s0  }
0xc2: {  	s0 =	sadd.s32 $0x8F2B, s0  }
0xc3: {  	[sflag:s0] =	ssyncadd.remote.s32 $0x1  }
0xc4: {  	_ =	sfence.sel $0xFFFF  }
0xc5: {  	[dreg:$0x0] =	wrdreg $0xFFFFFFFF;
	(pc) =	sbr.abs _section_cstart, $3  }
0xc6: {  	[dreg:$0x1] =	wrdreg $0xFFFFFFFF  }
0xc7: {  	_ =	task.clear_ibuf [dreg:s7], $0x2FFFF;
	_ =	strace $0x9FFFFFFF  }
0xc8: {  	(tm) =	ssettm $0x7FFFFFFF  }
0xc9: {  	_ =	shalt  }
tec
execute0_lowered:
.L_overlay_start_1:
0x0: {  	(tag) =	ssettag $0x1  }
0x1: {  	s1 =	srdreg.scid;
	s5 =	rddreg [dreg:$0x0]  }
0x2: {  	s0 =	stileid.u32;
	s2 =	rddreg [dreg:$0x1];
	s6 =	simm.s32 $0x1  }
0x3: {  	s9 =	simm.s32 $0x1;
	s10 =	simm.s32 $0x3;
	s1 =	sshll.u32 s1, $0xE  }
0x4: {  	s13 =	simm.s32 $0x0;
	s3 =	sshll.u32 s0, $0xF;
	s4 =	sand.u32 $0x4000, s1  }
0x5: {  	s12 =	simm.s32 $0x0;
	s1 =	rddreg [dreg:$0x2];
	s3 =	sor.u32 s3, s4  }
0x6: {  	_ =	strace $0x8000004A;
	s4 =	sadd.s32 $0x2000, s5;
	s8 =	ssub.s32 $0x100000, s3  }
.Ltmp0:
0x7: {  	s5 =	sadd.s32 $0x54000, s5;
	s7 =	sand.u32 $0x7C000, s8;
	(pc) =	sbr.rel .LBB2_1-.Ltmp0, $4  }
0x8: {  	[sflag:s6] =	ssyncpa.u1 $0x0;
	s11 =	smov.u32 s3;
	p0 =	sne.s32 s7, $0x0  }
0x9: {  	s8 =	sshrl.u32 s8, $0x13;
	s7 =	simm.s32 $0x2;
	s9 =	simm.s32 @!p0 $0x0  }
0xa: {  	[sflag:s7] =	ssyncpa.u1 $0x0;
	p0 =	por $0x0, $0x0;
	s8 =	sadd.s32 s9, s8  }
0xb: {  	vm0 =	vmmov $0xffff;
	[sflag:s10] =	ssyncpa.u1 $0x0;
	s10 =	simm.s32 $0x0;
	s9 =	sadd.s32 $0x1, s8  }
.LBB2_4:
0xc: {  	vm1 =	veq.s32 v4, $0x80000000;
	v56 =	vand.u32 $0x3, v4;
	v6 =	vand.u32 $0x7FFFF, v6  }
0xd: {  	v2 =	vor.u32 v2, v5;
	v59 =	vshrl.u32 v1, $0x2;
	v60 =	vand.u32 $0x3, v1  }
0xe: {  	v4 =	vsel vm1, $0xFFFFFFFF, v56;
	v6 =	vsel vm1, $0xFFFFFFFF, v6;
	v2 =	vor.u32 v3, v2  }
0xf: {  	vm1 =	veq.s32 v1, $0x80000000;
	v5 =	vand.u32 $0x7FFFF, v59;
	v7 =	vshrl.u32 v4, $0x2  }
0x10: {  	v57 =	vshll.u32 v6, $0x2;
	v4 =	vshll.u32 v4, $0x7;
	v1 =	vsel vm1, $0xFFFFFFFF, v60  }
0x11: {  	v5 =	vsel vm1, $0xFFFFFFFF, v5;
	v6 =	vand.u32 $0x7F, v6;
	v7 =	vmul.u32 $0x150000, v7  }
0x12: {  	v58 =	vand.u32 $0xFFFFFE00, v57;
	v4 =	vand.u32 $0x180, v4;
	v61 =	vshrl.u32 v1, $0x2  }
0x13: {  	v62 =	vshll.u32 v5, $0x2;
	v3 =	vadd.s32 v7, v58;
	v7 =	vmul.u32 $0x150000, v61  }
0x14: {  	v1 =	vshll.u32 v1, $0x7;
	v3 =	vor.u32 v4, v3;
	v4 =	vand.u32 $0xFFFFFE00, v62  }
0x15: {  	v1 =	vand.u32 $0x180, v1;
	v3 =	vor.u32 v6, v3;
	v4 =	vadd.s32 v7, v4  }
0x16: {  	[tilespmem:s16], [sflag:$0x1] =	stream.indirect_vreg.gather [hbm4b:s4+s10], $0x1, v0, vm0, $0x4038;
	v63 =	vand.u32 $0x7F, v5;
	v1 =	vor.u32 v1, v4;
	[tilespmem:$0x10000] =	vst v63  }
0x17: {  	s15 =	sadd.s32 $0x10, s15;
	(ifvalue) =	ssetifvalue $0x7FFFFFFF;
	v0 =	vor.u32 v63, v1  }
0x18: {  	[tilespmem:s15], [sflag:$0x1] =	stream.indirect_vreg.gather [hbm4b:s4+s10], $0x1, v2, vm0, $0x4038;
	[tilespmem:$0x10000] =	vst v63  }
0x19: {  	s15 =	sadd.s32 $0x10, s15;
	(ifvalue) =	ssetifvalue $0x7FFFFFFF  }
0x1a: {  	[tilespmem:s15], [sflag:$0x1] =	stream.indirect_vreg.gather [hbm4b:s4+s10], $0x1, v3, vm0, $0x4038;
	[tilespmem:$0x10000] =	vst v63  }
0x1b: {  	s15 =	sadd.s32 $0x10, s15;
	(ifvalue) =	ssetifvalue $0x7FFFFFFF  }
0x1c: {  	[tilespmem:s15], [sflag:$0x1] =	stream.indirect_vreg.gather [hbm4b:s4+s10], $0x1, v0, vm0, $0x4038;
	[tilespmem:$0x10000] =	vst v63  }
0x1d: {  	_ =	swait.ge [sflag:s6], $0x4000  }
0x1e: {  	s30 =	sshrl.u32 s13, $0x3;
	[sflag:s6] =	ssyncset.done $0x0  }
0x1f: {  	s31 =	sand.u32 $0x7, s13;
	s15 =	sadd.s32 s2, s30;
	[sflag:s6] =	ssyncadd.s32 $0xFFFFC000  }
0x20: {  	[hbm4b:s15+s31] =	stream.linear.scatter [tilespmem:s14], [sflag:$0x3], $0x4000, $0x38;
	[tilespmem:$0x10000] =	vst v63  }
.LBB2_5:
0x21: {  	s15 =	sadd.s32 $0x80000, s11  }
0x22: {  	p2 =	sgt.s32 s15, $0xFFFFF  }
0x23: {  	s15 =	smov.u32 @p2 s3;
	p2 =	sne.s32 s12, s9  }
.Ltmp1:
0x24: {  	p1 =	slt.u32 s12, $0x2;
	(pc) =	sbr.rel @!p2 .LBB2_6-.Ltmp1, $4  }
0x25: {  	s14 =	simm.s32 @!p1 $0x3  }
0x26: {  	s16 =	sadd.s32 $0x1, s12;
	_ =	swait.ge @!p1 [sflag:s14], $0x4000  }
0x27: {  	s13 =	smov.u32 s11;
	p0 =	por !p0, !p0;
	[sflag:s14] =	ssyncset.done @!p1 $0x0  }
0x28: {  	s12 =	smov.u32 s16;
	s11 =	smov.u32 s15;
	[sflag:s14] =	ssyncadd.s32 @!p1 $0xFFFFC000  }
.LBB2_1:
0x29: {  	p1 =	sge.u32 s12, s8  }
0x2a: {  	s14 =	sxor.u32 @!p1 $0xFFFFFFFF, s12  }
0x2b: {  	s31 =	sadd.s32 $0xFFFFFFFF, s12;
	s15 =	sshrl.u32 @!p1 s11, $0x3;
	s14 =	sshll.u32 @!p1 s14, $0xE  }
0x2c: {  	s16 =	sand.u32 @!p1 $0x7, s11;
	s15 =	sadd.s32 @!p1 s5, s15;
	s14 =	sand.u32 @!p1 $0x4000, s14  }
0x2d: {  	[tilespmem:s14], [sflag:$0x2] =	stream.linear.gather @!p1 [hbm4b:s15+s16], $0x4000, $0x38;
	[tilespmem:$0x10000] =	vst v63  }
0x2e: {  	p1 =	sge.u32 s31, s8  }
.Ltmp2:
0x2f: {  	_ = 	snop;
	(pc) =	sbr.rel @p1 .LBB2_5-.Ltmp2, $1  }
0x30: {  	_ =	sdelay $0x3  }
0x31: {  	s14 =	simm.s32 $0x1  }
0x32: {  	_ =	swait.ge [sflag:s7], $0x4000;
	s14 =	simm.s32 @!p0 $0x0  }
0x33: {  	[sflag:s7] =	ssyncset.done $0x0;
	s14 =	sshll.u32 s14, $0xE  }
0x34: {  	[sflag:s7] =	ssyncadd.s32 $0xFFFFC000;
	(ifvalue) =	ssetifvalue $0x7FFFFFFF;
	v0 =	vld.msk [tilespmem:s14+$0x0 ss:$0x1], $0xffff  }
0x35: {  	s15 =	sadd.s32 $0x10, s14  }
0x36: {  	v1 =	vld.msk [tilespmem:s15+$0x0 ss:$0x1], $0xffff;
	_ =	sdelay $0x2  }
0x37: {  	v2 =	vshrl.u32 v0, $0x2  }
0x38: {  	vm1 =	veq.s32 v0, $0x80000000;
	v0 =	vand.u32 $0x3, v0;
	v2 =	vand.u32 $0x7FFFF, v2  }
0x39: {  	v0 =	vsel vm1, $0xFFFFFFFF, v0;
	v6 =	vshrl.u32 v1, $0x2;
	v2 =	vsel vm1, $0xFFFFFFFF, v2  }
0x3a: {  	v3 =	vshrl.u32 v0, $0x2;
	v0 =	vshll.u32 v0, $0x7;
	vm1 =	veq.s32 v1, $0x80000000  }
0x3b: {  	s15 =	sadd.s32 $0x10, s15;
	v1 =	vand.u32 $0x3, v1;
	v4 =	vshll.u32 v2, $0x2;
	v3 =	vmul.u32 $0x150000, v3  }
0x3c: {  	v0 =	vand.u32 $0x180, v0;
	v7 =	vand.u32 $0x7F, v2;
	v5 =	vand.u32 $0xFFFFFE00, v4;
	v4 =	vld.msk [tilespmem:s15+$0x0 ss:$0x1], $0xffff  }
0x3d: {  	v1 =	vsel vm1, $0xFFFFFFFF, v1;
	v2 =	vadd.s32 v3, v5;
	v3 =	vand.u32 $0x7FFFF, v6  }
0x3e: {  	v3 =	vsel vm1, $0xFFFFFFFF, v3;
	v0 =	vor.u32 v0, v2;
	v2 =	vshrl.u32 v1, $0x2  }
0x3f: {  	s16 =	sshll.u32 s12, $0xE;
	s18 =	simm.s32 $0x30;
	v1 =	vshll.u32 v1, $0x7;
	v5 =	vshll.u32 v3, $0x2;
	v8 =	vmul.u32 $0x150000, v2  }
0x40: {  	s31 =	sand.u32 $0x4000, s16;
	s17 =	sadd.s32 $0x10, s15;
	s15 =	sor.u32 $0x8000, s14;
	v2 =	vand.u32 $0x180, v1;
	v0 =	vor.u32 v7, v0;
	v5 =	vand.u32 $0xFFFFFE00, v5  }
0x41: {  	s14 =	sor.u32 $0x8000, s31;
	s16 =	smov.u32 s15;
	v1 =	vld.msk [tilespmem:s17+$0x0 ss:$0x1], $0xffff;
	v3 =	vand.u32 $0x7F, v3;
	(ifvalue) =	ssetifvalue $0x7FFFFFFF;
	v6 =	vshrl.u32 v4, $0x2;
	v5 =	vadd.s32 v8, v5  }
.LBB2_3:
0x42: {  	s18 =	sadd.s32 $0x10, s18  }
0x43: {  	vm1 =	veq.s32 v4, $0x80000000;
	v4 =	vand.u32 $0x3, v4;
	v6 =	vand.u32 $0x7FFFF, v6;
	s15 =	sadd.s32 $0x10, s15;
	p1 =	slt.u32 s18, $0x3FF0  }
.Ltmp3:
0x44: {  	v5 =	vor.u32 v2, v5;
	v4 =	vsel vm1, $0xFFFFFFFF, v4;
	v7 =	vsel vm1, $0xFFFFFFFF, v6;
	(pc) =	sbr.rel @p1 .LBB2_3-.Ltmp3, $4  }
0x45: {  	v2 =	vshrl.u32 v4, $0x2;
	v6 =	vshll.u32 v7, $0x2;
	v4 =	vshll.u32 v4, $0x7;
	[tilespmem:s16], [sflag:$0x1] =	stream.indirect_vreg.gather [hbm4b:s4+s10], $0x1, v0, vm0, $0x4038;
	[tilespmem:$0x10000] =	vst v63  }
0x46: {  	v0 =	vor.u32 v3, v5;
	s16 =	smov.u32 s15;
	v8 =	vmul.u32 $0x150000, v2;
	v2 =	vand.u32 $0x180, v4  }
0x47: {  	s17 =	sadd.s32 $0x10, s17;
	v9 =	vand.u32 $0xFFFFFE00, v6  }
0x48: {  	v3 =	vand.u32 $0x7F, v7;
	v6 =	vshrl.u32 v1, $0x2;
	v5 =	vadd.s32 v8, v9;
	(ifvalue) =	ssetifvalue $0x7FFFFFFF;
	v4 =	vmovc v1;
	v1 =	vld.msk [tilespmem:s17+$0x0 ss:$0x1], $0xffff  }
.Ltmp4:
0x49: {  	_ = 	snop;
	(pc) =	sbr.rel .LBB2_4-.Ltmp4, $1  }
0x4a: {  	_ =	sdelay $0x3  }
.LBB2_6:
0x4b: {  	_ =	sfence.sel $0x180000  }
0x4c: {  	s2 =	simm.s32 $0x2;
	[bflag:$0x0] =	sbarrier.arrive $0xFFFF  }
0x4d: {  	s30 =	simm.s32 $0x3;
	[sflag:s2] =	ssyncpa.u1 $0x1  }
0x4e: {  	s31 =	simm.s32 $0x1;
	[sflag:s30] =	ssyncpa.u1 $0x1  }
0x4f: {  	[sflag:s31] =	ssyncpa.u1 $0x1  }
0x50: {  	p0 =	sne.s32 s0, $0x0;
	_ =	strace $0x9000004A  }
0x51: {  	s0 =	sadd.s32 @!p0 $0x100000, s1;
	[bflag:$0x2] =	sbarrier.arrive $0xFFFF  }
0x52: {  	[sflag:s0] =	ssyncadd.tile.s32 @!p0 $0x1;
	_ =	shalt  }
.Lfunc_end2:
_tile_overlayer_lowered:
.L_overlay_start_2:
0x53: {  	(tag) =	ssettag $0x2  }
0x54: {  	s0 =	rddreg [dreg:$0x0];
	s2 =	stileid.u32  }
0x55: {  	s1 =	rddreg [dreg:$0x1];
	p0 =	sne.s32 s2, $0x0  }
0x56: {  	s3 =	rddreg [dreg:$0x2];
	[bflag:$0x3] =	sbarrier.arrive $0xFFFF;
	s2 =	simm.s32 @!p0 $0x1C01  }
0x57: {  	[timem:s3], [sflag:s2] =	dma.local @!p0 [hbm:s0], s1  }
0x58: {  	s0 =	simm.s32 @!p0 $0x1  }
0x59: {  	_ =	swait.ge @!p0 [sflag:s0], s1  }
0x5a: {  	s1 =	ssub.s32 @!p0 $0x0, s1;
	[sflag:s0] =	ssyncset.done @!p0 $0x0  }
0x5b: {  	[sflag:s0] =	ssyncadd.s32 @!p0 s1  }
0x5c: {  	[bflag:$0x3] =	sbarrier.arrive $0xFFFF  }
0x5d: {  	_ =	shalt  }

// kernel: scatter_offload_async_start
scs
__scs_entry_jumppad:
0x0: {  	(pc) =	sbr.rel $0x88, $3  }
0x1: {  	(tag) =	ssettag $0x0;
	lr =	simm.s32 $0x1  }
0x2: {  	[smem:$0x3F9E] =	sst lr;
	_ =	strace $0xD0000000  }
0x3: {  	_ = 	snop  }
0x4: {  	_ = 	snop  }
0x5: {  	_ = 	snop  }
0x6: {  	_ = 	snop  }
0x7: {  	_ = 	snop  }
__scs_overlays_trampoline_lowered:
0x8: {  	[smem:$0x3FAD] =	sst s0  }
0x9: {  	[smem:$0x3FAE] =	sst s1  }
0xa: {  	[smem:$0x3FAF] =	sst s2  }
0xb: {  	[smem:$0x3FB0] =	sst s3  }
0xc: {  	[smem:$0x3FB1] =	sst s4  }
0xd: {  	[smem:$0x3FB2] =	sst s5  }
0xe: {  	[smem:$0x3FB3] =	sst s6  }
0xf: {  	[smem:$0x3FB4] =	sst s7  }
0x10: {  	[smem:$0x3FB5] =	sst s8  }
0x11: {  	[smem:$0x3FB6] =	sst s9;
	s0 =	simm.s32 @!p0 $0x0  }
0x12: {  	s1 =	sld [smem:$0x3F9C];
	s0 =	simm.s32 @p0 $0x1  }
0x13: {  	[smem:$0x3FB7] =	sst s0;
	s0 =	simm.s32 @!p1 $0x0  }
0x14: {  	s2 =	sld [smem:$0x3F9B];
	s0 =	simm.s32 @p1 $0x1  }
0x15: {  	[smem:$0x3FB8] =	sst s0;
	s0 =	simm.s32 @!p2 $0x0  }
0x16: {  	s3 =	sld [smem:$0x3FDB];
	s0 =	simm.s32 @p2 $0x1  }
0x17: {  	s4 =	simm.s32 $0x1BF5;
	[smem:$0x3FBA] =	sst s0  }
0x18: {  	s0 =	sld [smem:$0x3F9D];
	_ =	swait.ge [sflag:s4], $0x0  }
0x19: {  	s7 =	sld [smem:$0x3F9E]  }
0x1a: {  	s8 =	sadd.s32 $0xFFFFE003, lr  }
0x1b: {  	s9 =	sadd.s32 $0xFFFFFEF7, lr;
	s5 =	simm.s32 $0xFFFFFFFF;
	p2 =	slt.u32 s8, $0xFFFFF086  }
0x1c: {  	p1 =	slt.u32 s9, $0xF7A;
	s5 =	simm.s32 @!p2 $0x0  }
0x1d: {  	s5 =	simm.s32 @p1 $0x1;
	p0 =	seq.s32 s7, s2  }
0x1e: {  	s7 =	smul.u32 @!p0 $0xF7A, s2;
	p2 =	seq.s32 @!p0 s5, $0x0  }
0x1f: {  	s9 =	smul.u32 $0xF7A, s1;
	s8 =	simm.s32 @!p0 $0x1BF5;
	p2 =	por !p2, p0  }
0x20: {  	[sflag:s8] =	ssyncset.s32 @!p0 $0xFFFFF086;
	s6 =	sadd.s32 @!p0 s3, s7;
	s7 =	simm.s32 @!p0 $0x108  }
0x21: {  	s3 =	sadd.s32 s3, s9;
	s6 =	sadd.s32 @!p0 $0x88, s6;
	s7 =	simm.s32 @p2 $0x1082  }
0x22: {  	[simem:s7], [sflag:s8] =	dma.local @!p0 [hbm:s6], $0xF7A  }
0x23: {  	s9 =	sor.u32 $0xD0000000, s2;
	s6 =	simm.s32 $0x108;
	_ =	swait.ge @!p0 [sflag:s8], $0x0  }
0x24: {  	s3 =	sadd.s32 $0x88, s3;
	s6 =	simm.s32 @!p1 $0x1082;
	[sflag:s4] =	ssyncset.s32 $0xFFFFF086  }
0x25: {  	[simem:s6], [sflag:s4] =	dma.local [hbm:s3], $0xF7A  }
0x26: {  	[smem:$0x3F9E] =	sst s1;
	(tag) =	ssettag s2;
	_ =	strace s9  }
0x27: {  	s1 =	sld [smem:$0x3FAE]  }
0x28: {  	s2 =	sld [smem:$0x3FAF]  }
0x29: {  	s4 =	sld [smem:$0x3FB1]  }
0x2a: {  	p0 =	seq.s32 s5, $0x0;
	s5 =	sld [smem:$0x3FB2]  }
0x2b: {  	s6 =	sld [smem:$0x3FB3]  }
0x2c: {  	s7 =	sld [smem:$0x3FB4]  }
0x2d: {  	s3 =	simm.s32 $0x108;
	s8 =	sld [smem:$0x3FB5]  }
0x2e: {  	s3 =	simm.s32 @!p0 $0x1082;
	s9 =	sld [smem:$0x3FB6]  }
0x2f: {  	lr =	sadd.s32 s0, s3;
	s0 =	sld [smem:$0x3FAD]  }
0x30: {  	s3 =	sld [smem:$0x3FB0]  }
0x31: {  	[smem:$0x3FB9] =	sst s10  }
0x32: {  	s10 =	sld [smem:$0x3FB7];
	_ =	sdelay $0x3  }
0x33: {  	p0 =	seq.s32 s10, $0x1;
	s10 =	sld [smem:$0x3FB9];
	_ =	sdelay $0x3  }
0x34: {  	[smem:$0x3FB9] =	sst s10  }
0x35: {  	s10 =	sld [smem:$0x3FB8];
	_ =	sdelay $0x3  }
0x36: {  	p1 =	seq.s32 s10, $0x1;
	s10 =	sld [smem:$0x3FB9];
	_ =	sdelay $0x3  }
0x37: {  	[smem:$0x3FB9] =	sst s10  }
0x38: {  	s10 =	sld [smem:$0x3FBA]  }
0x39: {  	_ = 	snop;
	(pc) =	sbr.ind lr, $3  }
0x3a: {  	_ = 	snop  }
0x3b: {  	_ = 	snop  }
0x3c: {  	p2 =	seq.s32 s10, $0x1;
	s10 =	sld [smem:$0x3FB9]  }
0x3d: {  	_ =	shalt  }
0x3e: {  	_ =	shalt  }
0x3f: {  	_ =	shalt  }
0x40: {  	_ =	shalt  }
0x41: {  	_ =	shalt  }
0x42: {  	_ =	shalt  }
0x43: {  	_ =	shalt  }
0x44: {  	_ =	shalt  }
0x45: {  	_ =	shalt  }
0x46: {  	_ =	shalt  }
0x47: {  	_ =	shalt  }
0x48: {  	_ =	shalt  }
0x49: {  	_ =	shalt  }
0x4a: {  	_ =	shalt  }
0x4b: {  	_ =	shalt  }
0x4c: {  	_ =	shalt  }
0x4d: {  	_ =	shalt  }
0x4e: {  	_ =	shalt  }
0x4f: {  	_ =	shalt  }
0x50: {  	_ =	shalt  }
0x51: {  	_ =	shalt  }
0x52: {  	_ =	shalt  }
0x53: {  	_ =	shalt  }
0x54: {  	_ =	shalt  }
0x55: {  	_ =	shalt  }
0x56: {  	_ =	shalt  }
0x57: {  	_ =	shalt  }
0x58: {  	_ =	shalt  }
0x59: {  	_ =	shalt  }
0x5a: {  	_ =	shalt  }
0x5b: {  	_ =	shalt  }
0x5c: {  	_ =	shalt  }
0x5d: {  	_ =	shalt  }
0x5e: {  	_ =	shalt  }
0x5f: {  	_ =	shalt  }
0x60: {  	_ =	shalt  }
0x61: {  	_ =	shalt  }
0x62: {  	_ =	shalt  }
0x63: {  	_ =	shalt  }
0x64: {  	_ =	shalt  }
0x65: {  	_ =	shalt  }
0x66: {  	_ =	shalt  }
0x67: {  	_ =	shalt  }
0x68: {  	_ =	shalt  }
0x69: {  	_ =	shalt  }
0x6a: {  	_ =	shalt  }
0x6b: {  	_ =	shalt  }
0x6c: {  	_ =	shalt  }
0x6d: {  	_ =	shalt  }
0x6e: {  	_ =	shalt  }
0x6f: {  	_ =	shalt  }
0x70: {  	_ =	shalt  }
0x71: {  	_ =	shalt  }
0x72: {  	_ =	shalt  }
0x73: {  	_ =	shalt  }
0x74: {  	_ =	shalt  }
0x75: {  	_ =	shalt  }
0x76: {  	_ =	shalt  }
0x77: {  	_ =	shalt  }
0x78: {  	_ =	shalt  }
0x79: {  	_ =	shalt  }
0x7a: {  	_ =	shalt  }
0x7b: {  	_ =	shalt  }
0x7c: {  	_ =	shalt  }
0x7d: {  	_ =	shalt  }
0x7e: {  	_ =	shalt  }
0x7f: {  	_ =	shalt  }
0x80: {  	_ =	shalt  }
0x81: {  	_ =	shalt  }
0x82: {  	_ =	shalt  }
0x83: {  	_ =	shalt  }
0x84: {  	_ =	shalt  }
0x85: {  	_ =	shalt  }
0x86: {  	_ =	shalt  }
0x87: {  	_ =	shalt  }
.Lfunc_end0:
.L_simem_size_0:
called_computation_lowered:
.L_overlay_start_0:
0x88: {  	s0 =	sld [smem:$0x3FD9]  }
0x89: {  	s1 =	sld [smem:$0x3FFE];
	_ =	sdelay $0x3  }
0x8a: {  	s0 =	sadd.s32 s1, s0  }
0x8b: {  	[smem:$0x3FC5] =	sst s0  }
0x8c: {  	_ = 	snop  }
0x8d: {  	s0 =	sld [smem:$0x3FD0];
	_ =	sdelay $0x2  }
0x8e: {  	s13 =	simm.s32 $0xA;
	s2 =	simm.s32 $0x10  }
0x8f: {  	[smem:s2], [sflag:s13] =	dma.local [hbm:s0], $0x1  }
0x90: {  	_ =	swait.eq [sflag:s13], $0x1  }
0x91: {  	[sflag:s13] =	ssyncset.done $0x0  }
0x92: {  	s14 =	sld [smem:$0x10];
	[sflag:s13] =	ssyncadd.s32 $0xFFFFFFFF  }
0x93: {  	s15 =	sld [smem:$0x11];
	(tm) =	ssettm $0x1  }
0x94: {  	s16 =	sld [smem:$0x3FFB];
	_ =	sdelay $0x3  }
0x95: {  	_ =	strace s16  }
0x96: {  	s2 =	sld [smem:$0x3FFC];
	_ =	sdelay $0x3  }
0x97: {  	_ =	strace s2  }
0x98: {  	s2 =	sld [smem:$0x3FFD];
	_ =	sdelay $0x3  }
0x99: {  	_ =	strace s2  }
0x9a: {  	_ =	strace $0x8FFFFFFF  }
0x9b: {  	s17 =	sld [smem:$0x3FDB];
	_ =	sdelay $0x1  }
0x9c: {  	s3 =	simm.s32 $_scs_section_size  }
0x9d: {  	s4 =	simm.s32 $_size__tile_overlayer_lowered;
	s5 =	simm.s32 $_tile_overlayer_lowered  }
0x9e: {  	s20 =	simm.s32 $0x1BFF;
	s19 =	sshll.u32 s5, $0x1;
	s2 =	sadd.s32 s3, s17  }
0x9f: {  	s6 =	simm.s32 $0x0;
	s18 =	sshll.u32 s4, $0x1;
	s4 =	sadd.s32 s19, s2  }
0xa0: {  	[timem:s6], [sflag:s20] =	dma.local [hbm:s4], s18  }
0xa1: {  	_ =	swait.ge [sflag:s20], s18  }
0xa2: {  	s3 =	ssub.s32 $0x0, s18;
	[sflag:s20] =	ssyncset.done $0x0  }
0xa3: {  	[sflag:s20] =	ssyncadd.s32 s3;
	_ =	sdelay $0x1  }
0xa4: {  	s21 =	simm.s32 $0x1B8B  }
0xa5: {  	_ =	swait.ge [sflag:s21], $0x1  }
0xa6: {  	[sflag:s21] =	ssyncset.done $0x0  }
0xa7: {  	s23 =	simm.s32 $0x1B8E;
	s22 =	sld [smem:$0x3FFE];
	[sflag:s21] =	ssyncadd.s32 $0xFFFFFFFF  }
0xa8: {  	s24 =	simm.s32 $execute0_lowered;
	[smem:$0x3FD2] =	sst s23  }
0xa9: {  	s4 =	sshll.u32 s24, $0x1;
	_ =	strace $0x80000046;
	[dreg:$0x1] =	wrdreg $0xFFFFFFFF  }
0xaa: {  	s25 =	simm.s32 $_size_execute0_lowered;
	s2 =	sadd.s32 s2, s4;
	[dreg:$0x0] =	wrdreg $0x0  }
0xab: {  	s4 =	sshll.u32 s25, $0x1;
	[dreg:$0x2] =	wrdreg s2  }
0xac: {  	[dreg:$0x3] =	wrdreg s4  }
0xad: {  	[dreg:$0x4] =	wrdreg $0xC0  }
0xae: {  	_ =	task [dreg:s6], $0x5FFFF  }
0xaf: {  	[dreg:$0x1] =	wrdreg $0xFFFFFFFF  }
0xb0: {  	[dreg:$0x0] =	wrdreg $0x60  }
0xb1: {  	[dreg:$0x2] =	wrdreg s22  }
0xb2: {  	[dreg:$0x3] =	wrdreg s14  }
0xb3: {  	[dreg:$0x4] =	wrdreg s15  }
0xb4: {  	[dreg:$0x5] =	wrdreg $0x9  }
0xb5: {  	_ =	task.clear_ibuf [dreg:s6], $0x6FFFF;
	_ =	strace $0x90000046  }
0xb6: {  	s26 =	simm.s32 $0x9;
	_ =	strace $0x80000048  }
0xb7: {  	_ =	swait.ge [sflag:s26], $0x1  }
0xb8: {  	[sflag:s26] =	ssyncadd.s32 $0xFFFFFFFF  }
0xb9: {  	_ =	strace $0x90000048  }
0xba: {  	_ =	sfence  }
0xbb: {  	s28 =	sld [smem:$0x0];
	_ =	sdelay $0x1  }
0xbc: {  	s29 =	srdreg.scid  }
0xbd: {  	s30 =	sshll.u32 s29, $0xD;
	s31 =	sshrl.u32 s29, $0x2  }
0xbe: {  	s1 =	sand.u32 $0x1, s29;
	s2 =	sand.u32 $0x4000, s30;
	s0 =	sadd.s32 s31, s28  }
0xbf: {  	s1 =	sor.u32 s2, s1;
	s0 =	sshll.u32 s0, $0x11  }
0xc0: {  	s0 =	sor.u32 s0, s1  }
0xc1: {  	s0 =	sadd.s32 $0x8F2B, s0  }
0xc2: {  	[sflag:s0] =	ssyncadd.remote.s32 $0x1  }
0xc3: {  	_ =	sfence.sel $0xFFFF  }
0xc4: {  	[dreg:$0x0] =	wrdreg $0xFFFFFFFF;
	(pc) =	sbr.abs _section_cstart, $3  }
0xc5: {  	[dreg:$0x1] =	wrdreg $0xFFFFFFFF  }
0xc6: {  	_ =	task.clear_ibuf [dreg:s6], $0x2FFFF;
	_ =	strace $0x9FFFFFFF  }
0xc7: {  	(tm) =	ssettm $0x7FFFFFFF  }
tec
execute0_lowered:
.L_overlay_start_1:
0x0: {  	(tag) =	ssettag $0x1  }
0x1: {  	s0 =	rddreg [dreg:$0x0];
	_ =	strace $0x80000047;
	s1 =	simm.s32 $0x1  }
0x2: {  	v1 =	vimm.s32 $0xFFFFFFFF;
	[sflag:s1] =	ssyncpa.u1 $0x0  }
0x3: {  	[tilespmem:$0x10] =	vst v1  }
0x4: {  	v0 =	vimm.s32 $0x80000000;
	s3 =	stileid.u32;
	s29 =	simm.s32 $0x2;
	s7 =	simm.s32 $0x7;
	[tilespmem:$0x20] =	vst v1  }
0x5: {  	s8 =	simm.s32 $0x8;
	s30 =	simm.s32 $0x9;
	s16 =	simm.s32 $0x0;
	[tilespmem:$0x30] =	vst v0  }
0x6: {  	s17 =	simm.s32 $0xFFFFE000;
	s18 =	simm.s32 $0xF0;
	s28 =	smul.u32 $0xA, s3;
	[tilespmem:$0x40] =	vst v0  }
0x7: {  	s19 =	simm.s32 $0xFFFFFFFF;
	s20 =	simm.s32 $0xFFFFC100;
	s2 =	smin.u32 s3, $0x8;
	[tilespmem:$0x50] =	vst v0  }
0x8: {  	p0 =	slt.u32 s3, $0x8;
	[tilespmem:$0x60] =	vst v1;
	s1 =	sadd.s32 s2, s28;
	s2 =	simm.s32 $0x16000  }
0x9: {  	s21 =	simm.s32 $0xFFFFFFFE;
	[tilespmem:$0x70] =	vst v1;
	s5 =	sshll.u32 s1, $0xD;
	s2 =	simm.s32 @!p0 $0x14000  }
0xa: {  	s22 =	simm.s32 $0xF;
	s26 =	simm.s32 $0x0;
	[tilespmem:$0x80] =	vst v1;
	s1 =	sadd.s32 s2, s5  }
0xb: {  	s25 =	simm.s32 $0x0;
	s11 =	sshll.u32 s3, $0x1;
	v1 =	vimm.s32 $0x0;
	[tilespmem:$0xB0] =	vst v0;
	s6 =	smin.u32 s1, $0x150000  }
0xc: {  	s14 =	sshllo.u32 s3, $0x1;
	s13 =	sor.u32 $0x81, s11;
	[tilespmem:$0x90] =	vst v1;
	s2 =	ssub.s32 s6, s5  }
.Ltmp0:
0xd: {  	[tilespmem:$0xA0] =	vst v1;
	[sflag:s29] =	ssyncpa.u1 $0x0;
	p0 =	sgt.s32 s2, $0x0;
	(pc) =	sbr.rel .LBB2_1-.Ltmp0, $4  }
0xe: {  	s15 =	sor.u32 $0x80, s11;
	[sflag:s7] =	ssyncpa.u1 $0x0;
	s2 =	simm.s32 @!p0 $0x0  }
0xf: {  	[sflag:s8] =	ssyncpa.u1 $0x0;
	s24 =	smov.u32 s5;
	s9 =	sshrl.u32 s2, $0xD  }
0x10: {  	vm0 =	vmmov $0xffff;
	v2 =	vlaneseq.u32;
	s1 =	sadd.s32 $0x2C000, s0;
	[sflag:s30] =	ssyncpa.u1 $0x0;
	s31 =	sadd.s32 $0x1, s9  }
0x11: {  	vm1 =	vmxor vm1, vm1;
	vm2 =	vmmov $0x1;
	vm3 =	vcmask $0x3F3C;
	p0 =	por $0x0, $0x0;
	s12 =	sadd.s32 $0x2, s9;
	[dreg:$0x4] =	wrdreg s31  }
.LBB2_9:
0x12: {  	p1 =	slt.u32 s25, $0x3  }
0x13: {  	s0 =	simm.s32 @!p1 $0x2  }
0x14: {  	_ =	swait.ge @!p1 [sflag:s0], $0x2000  }
0x15: {  	[sflag:s0] =	ssyncset.done @!p1 $0x0  }
0x16: {  	[sflag:s0] =	ssyncadd.s32 @!p1 $0xFFFFE000;
	s0 =	simm.s32 @!p1 $0x9  }
0x17: {  	_ =	swait.ge @!p1 [sflag:s0], $0x10  }
0x18: {  	s2 =	sadd.s32 $0x2000, s24;
	[sflag:s0] =	ssyncset.done @!p1 $0x0  }
0x19: {  	[sflag:s0] =	ssyncadd.s32 @!p1 $0xFFFFFFF0;
	p1 =	slt.s32 s2, s6;
	s0 =	smov.u32 s5  }
0x1a: {  	s0 =	smov.u32 @p1 s2;
	p1 =	sne.s32 s25, s12  }
.Ltmp1:
0x1b: {  	_ = 	snop;
	(pc) =	sbr.rel @!p1 .LBB2_10-.Ltmp1, $4  }
0x1c: {  	s31 =	sadd.s32 $0x1, s25  }
0x1d: {  	s17 =	sadd.s32 $0x2000, s17;
	s18 =	sadd.s32 $0x2000, s18;
	s19 =	sadd.s32 $0x1, s19  }
0x1e: {  	s26 =	smov.u32 s24;
	p0 =	por !p0, !p0;
	s20 =	sadd.s32 $0x2000, s20  }
0x1f: {  	s21 =	sadd.s32 $0x1, s21;
	s25 =	smov.u32 s31;
	s24 =	smov.u32 s0  }
.LBB2_1:
0x20: {  	p1 =	sge.u32 s25, s9  }
0x21: {  	s0 =	smulhi.u32 @!p1 $0xAAAAAAAB, s25;
	_ =	sdelay $0x1  }
0x22: {  	s0 =	sshrl.u32 @!p1 s0, $0x1  }
0x23: {  	s0 =	smul.u32 @!p1 $0x3, s0;
	_ =	sdelay $0x1  }
0x24: {  	s0 =	ssub.s32 @!p1 s25, s0  }
0x25: {  	s3 =	rddreg [dreg:$0x1];
	s2 =	sshrl.u32 @!p1 s24, $0x3;
	s0 =	sshll.u32 @!p1 s0, $0xD  }
0x26: {  	s2 =	sadd.s32 @!p1 s3, s2;
	s3 =	sand.u32 @!p1 $0x7, s24;
	s0 =	sor.u32 @!p1 $0x100, s0  }
0x27: {  	[tilespmem:s0], [sflag:$0x7] =	stream.linear.gather @!p1 [hbm4b:s2+s3], $0x2000, $0x38;
	[tilespmem:$0x12120] =	vst v63  }
0x28: {  	s2 =	sadd.s32 $0xFFFFFFFF, s25  }
0x29: {  	p1 =	sge.u32 s2, s9  }
.Ltmp2:
0x2a: {  	_ = 	snop;
	(pc) =	sbr.rel @p1 .LBB2_5-.Ltmp2, $1  }
0x2b: {  	_ =	sdelay $0x3  }
0x2c: {  	s0 =	smulhi.u32 $0xAAAAAAAB, s2;
	_ =	sdelay $0x1  }
0x2d: {  	s0 =	sshrl.u32 s0, $0x1  }
0x2e: {  	s0 =	smul.u32 $0x3, s0;
	_ =	sdelay $0x1  }
0x2f: {  	s0 =	ssub.s32 s2, s0  }
0x30: {  	_ =	swait.ge [sflag:s7], $0x2000;
	s0 =	sshll.u32 s0, $0xD  }
0x31: {  	[sflag:s7] =	ssyncset.done $0x0;
	s0 =	sor.u32 $0x100, s0  }
0x32: {  	[sflag:s7] =	ssyncadd.s32 $0xFFFFE000;
	(ifvalue) =	ssetifvalue $0xFFFFFFFF;
	v3 =	vld.msk [tilespmem:s0+$0x0 ss:$0x1], $0xffff;
	_ =	sdelay $0x2  }
0x33: {  	s29 =	smulhi.u32 $0xAAAAAAAB, s19;
	p1 =	sne.s32 s25, $0x1  }
0x34: {  	v4 =	vimm.s32 @!p1 $0x0  }
0x35: {  	s0 =	sshrl.u32 s29, $0x1;
	v4 =	vperm.xlane @!p1 v3, v4  }
0x36: {  	s3 =	sshll.u32 s25, $0x4;
	s0 =	smul.u32 $0xFFFE8000, s0;
	vm4 =	vlt.u32 v3, $0x100000  }
0x37: {  	s3 =	sand.u32 $0x10, s3;
	v3 =	vnsel vm4, $0xFFFFFFFE, v3;
	vm4 =	vlt.u32 @!p1 v4, $0x100000  }
0x38: {  	s0 =	sshra.s32 s0, $0x2;
	[tilespmem:s3+$0x60] =	vst v3;
	v3 =	vnsel @!p1 vm4, $0xFFFFFFFE, v4  }
0x39: {  	s23 =	sadd.s32 s0, s18;
	[tilespmem:$0x80] =	vst @!p1 v3  }
0x3a: {  	v3 =	vld.msk [tilespmem:s23+$0x0 ss:$0x1], $0xffff;
	_ =	sdelay $0x4  }
0x3b: {  	(xrf1) =	vunique.msk.u32 $0xffff, v3;
	_ =	sdelay $0xd  }
0x3c: {  	v4 =	vimm.s32 $0xFFFFFFFF;
	v5, _, _ =	vpop (xrf1)  }
0x3d: {  	vm5 =	vne.s32 v3, v4;
	vm4 =	veq.s32 v5, v2  }
0x3e: {  	vm6 =	vlt.u32 v3, $0x100000;
	vm4 =	vmand vm5, vm4  }
0x3f: {  	vm4 =	vmand vm6, vm4  }
0x40: {  	v4 =	vnsel vm4, $0xFFFFFFFF, v3;
	_ =	sdelay $0x2  }
0x41: {  	s30 =	sand.u32 $0x2000, s17  }
0x42: {  	s31 =	sshll.u32 s2, $0xD;
	s0 =	sor.u32 $0x80F0, s30;
	(ifvalue) =	ssetifvalue $0xFFFFFFFF  }
0x43: {  	v3 =	vperm.xlane v3, v1;
	[tilespmem:s0], [sflag:$0x8] =	stream.indirect_vreg.gather [hbm4b:s1+s16], $0x1, v4, vm0, $0x4038;
	v4 =	vnsel vm6, $0xFFFFFFFE, v4;
	[tilespmem:$0x12120] =	vst v63  }
0x44: {  	s2 =	sand.u32 $0x2000, s31;
	s4 =	sadd.s32 $0xFFFFFFF0, s23;
	s3 =	simm.s32 $0x0;
	[tilespmem:s23+$0x0] =	vst v4  }
.LBB2_3:
0x45: {  	v4 =	vld.msk [tilespmem:s4+$0x0 ss:$0x1], $0xffff;
	s3 =	sadd.s32 $0x10, s3;
	v5 =	vmov v3;
	s23 =	smov.u32 s4  }
0x46: {  	p1 =	slt.u32 s3, $0x1FF0;
	_ =	sdelay $0x4  }
0x47: {  	v3 =	vperm.xlane v4, v1;
	(xrf1) =	vunique.msk.u32 $0xffff, v4;
	_ =	sdelay $0xd  }
0x48: {  	v6, _, _ =	vpop (xrf1)  }
0x49: {  	vm5 =	vne.s32 v4, v5;
	vm4 =	veq.s32 v6, v2  }
0x4a: {  	vm6 =	vlt.u32 v4, $0x100000;
	vm4 =	vmand vm5, vm4  }
0x4b: {  	vm4 =	vmand vm6, vm4  }
0x4c: {  	v4 =	vnsel vm4, $0xFFFFFFFF, v4  }
.Ltmp3:
0x4d: {  	v5 =	vnsel vm6, $0xFFFFFFFE, v4;
	(pc) =	sbr.rel @p1 .LBB2_3-.Ltmp3, $3  }
0x4e: {  	_ =	sdelay $0x1  }
0x4f: {  	s4 =	sadd.s32 $0xFFFFFFF0, s4;
	s0 =	sadd.s32 $0xFFFFFFF0, s0;
	(ifvalue) =	ssetifvalue $0xFFFFFFFF  }
0x50: {  	[tilespmem:s0], [sflag:$0x8] =	stream.indirect_vreg.gather [hbm4b:s1+s16], $0x1, v4, vm0, $0x4038;
	[tilespmem:s23+$0x0] =	vst v5  }
0x51: {  	s0 =	sshrl.u32 s26, $0x3;
	s3 =	rddreg [dreg:$0x2]  }
0x52: {  	s2 =	sadd.s32 $0xA100, s2;
	s0 =	sadd.s32 s3, s0  }
0x53: {  	[tilespmem:s2], [sflag:$0x8] =	stream.linear.gather [hbm:s0], $0x2000, $0x38;
	[tilespmem:$0x12120] =	vst v63  }
.LBB2_5:
0x54: {  	p1 =	slt.u32 s25, $0x2  }
0x55: {  	p2 =	sge.u32 @!p1 s25, s12  }
0x56: {  	p1 =	por p1, p2  }
.Ltmp4:
0x57: {  	_ = 	snop;
	(pc) =	sbr.rel @p1 .LBB2_9-.Ltmp4, $1  }
0x58: {  	_ =	sdelay $0x3  }
0x59: {  	s0 =	sadd.s32 $0xFFFFFFFE, s25  }
0x5a: {  	s2 =	smulhi.u32 $0xAAAAAAAB, s0;
	_ =	sdelay $0x1  }
0x5b: {  	s2 =	sshrl.u32 s2, $0x1  }
0x5c: {  	s2 =	smul.u32 $0x3, s2  }
0x5d: {  	_ =	swait.ge [sflag:s8], $0x4000  }
0x5e: {  	s10 =	rddreg [dreg:$0x4];
	s0 =	ssub.s32 s0, s2  }
0x5f: {  	[sflag:s8] =	ssyncset.done $0x0;
	p1 =	sne.s32 s25, s10;
	s0 =	sshll.u32 s0, $0xD  }
0x60: {  	[sflag:s8] =	ssyncadd.s32 $0xFFFFC000;
	s2 =	sadd.s32 @!p1 $0x20FF, s0  }
0x61: {  	[spmem:s13] =	stream.linear.scatter @!p1 [tilespmem:s2], [sflag:$0x1], $0x1, $0x38;
	[tilespmem:$0x12120] =	vst v63  }
0x62: {  	s2 =	simm.s32 @!p1 $0x1  }
0x63: {  	_ =	swait.ge @!p1 [sflag:s2], $0x1  }
0x64: {  	s3 =	sshll.u32 s25, $0x4;
	[sflag:s2] =	ssyncset.done @!p1 $0x0  }
0x65: {  	s26 =	sand.u32 $0x10, s3;
	[sflag:s2] =	ssyncadd.s32 @!p1 $0xFFFFFFFF  }
0x66: {  	s2 =	sxor.u32 $0x10, s26;
	v4 =	vld [tilespmem:s26+$0x10]  }
0x67: {  	v5 =	vld [tilespmem:s2+$0x60]  }
0x68: {  	v3 =	vld [tilespmem:$0x80];
	_ =	sdelay $0x2  }
0x69: {  	(v2sf) =	vpush v4, $0x0  }
0x6a: {  	(v2sf) =	vpush v5, $0x0  }
0x6b: {  	(v2sf) =	vpush v3, $0x0;
	_ =	sdelay $0xc  }
0x6c: {  	s23 =	spop (v2sf)  }
0x6d: {  	s4 =	spop (v2sf)  }
0x6e: {  	s29 =	spop (v2sf)  }
0x6f: {  	p3 =	seq.s32 s23, s4;
	p2 =	seq.s32 s29, s23  }
0x70: {  	p2 =	por p3, p2  }
0x71: {  	v4 =	vpsel p2, $0xFFFFFFFF, v4  }
0x72: {  	s4 =	sand.u32 $0x1, s25;
	[tilespmem:s26+$0x10] =	vst.msk $0x1, v4  }
0x73: {  	s30 =	sshll.u32 s4, $0xD;
	v4 =	vld [tilespmem:$0x30]  }
0x74: {  	v5 =	vld [tilespmem:s30+$0xA100]  }
0x75: {  	v6 =	vld [tilespmem:s26+$0x40];
	_ =	sdelay $0x3  }
0x76: {  	vm4 =	vmmov vm1;
	vm6 =	vmmov vm2;
	vm5 =	vgt.s32 v4, v5  }
0x77: {  	vm4 =	vmmov @p3 vm2;
	s3 =	sshll.u32 s4, $0x4;
	v5 =	vsel vm5, v4, v5;
	vm5 =	vgt.s32 v4, v6  }
0x78: {  	s28 =	sor.u32 $0x12100, s3;
	vm6 =	vmmov @p2 vm1;
	v4 =	vsel vm5, v4, v6;
	[tilespmem:s30+$0xA100] =	vst.msk vm4, v5  }
0x79: {  	[tilespmem:s28+$0x0] =	vst.msk vm6, v4  }
0x7a: {  	v4 =	vld [tilespmem:s30+$0x80F0];
	_ =	sdelay $0x4  }
0x7b: {  	v4 =	vshift.insert v4, v1, s22  }
0x7c: {  	s10 =	sor.u32 $0x40, s2  }
0x7d: {  	v5 =	vimm.s32 $0x80000000;
	[tilespmem:s10+$0x0] =	vst.msk $0x1, v4  }
0x7e: {  	[tilespmem:s30+$0x80FF] =	vst.msk $0x1, v5  }
0x7f: {  	v4 =	vld [tilespmem:s0+$0x20F0];
	_ =	sdelay $0x2  }
0x80: {  	s23 =	smulhi.u32 $0xAAAAAAAB, s21  }
0x81: {  	s3 =	simm.s32 $0x1  }
0x82: {  	s3 =	simm.s32 @!p0 $0x0;
	s0 =	sshrl.u32 s23, $0x1;
	v4 =	vshift.insert v4, v1, s22  }
0x83: {  	s3 =	sshll.u32 s3, $0xD;
	s0 =	smul.u32 $0xFFFE8000, s0  }
0x84: {  	s4 =	sadd.s32 $0xA100, s3;
	[tilespmem:s2+$0x10] =	vst.msk $0x1, v4  }
0x85: {  	s0 =	sshra.s32 s0, $0x2;
	v6 =	vld [tilespmem:s4+$0x0]  }
0x86: {  	s23 =	sadd.s32 s0, s20  }
0x87: {  	v7 =	vld [tilespmem:s23+$0x0];
	_ =	sdelay $0x2  }
0x88: {  	vm4 =	vgt.s32 v6, v5  }
0x89: {  	v5 =	vsel vm4, v6, v5  }
0x8a: {  	vm4 =	vne.s32 v7, $0xFFFFFFFF;
	v5 =	vxor.u32 $0x80000000, v5  }
0x8b: {  	(xrf0) =	vmax.seg.scan.u32 vm4, v5  }
0x8c: {  	s10 =	sadd.s32 $0x6100, s3  }
0x8d: {  	v8 =	vld [tilespmem:s10+$0x0]  }
0x8e: {  	v6 =	vld [tilespmem:$0xA0];
	_ =	sdelay $0x2  }
0x8f: {  	v5 =	vperm.xlane v4, v1;
	v9, _, _ =	vpop (xrf0)  }
0x90: {  	vm6 =	veq.s32 v7, v3;
	v9 =	vxor.u32 $0x80000000, v9  }
0x91: {  	vm8 =	veq.s32 v7, v5;
	vm5 =	veq.s32 v6, $0x1;
	vm7 =	vgt.s32 v9, v8  }
0x92: {  	vm8 =	vmor vm8, vm6;
	v6 =	vsel vm7, v9, v8;
	vm7 =	vgt.u32 v7, $0xFFFFFFFD  }
0x93: {  	v10 =	vld [tilespmem:$0x90];
	vm9 =	vmand vm4, vm3;
	vm4 =	vmor vm5, vm6;
	vm5 =	vmor vm8, vm7  }
0x94: {  	v8 =	vsel vm5, $0xFFFFFFFF, v7;
	_ =	sdelay $0x1  }
0x95: {  	s31 =	sadd.s32 $0xE100, s3  }
0x96: {  	s3 =	sadd.s32 $0x10, s10;
	s0 =	simm.s32 $0x0;
	s2 =	sadd.s32 $0x10, s4;
	v11 =	vsel vm9, $0x80000000, v9;
	v6 =	vsel vm6, v9, v6  }
0x97: {  	s4 =	sadd.s32 $0x10, s23;
	s23 =	sadd.s32 $0x10, s31;
	[tilespmem:s31+$0x0] =	vst v6;
	v6 =	vsel vm6, v9, v10;
	v7 =	vshift.insert v11, v0, s22;
	(ifvalue) =	ssetifvalue $0xFFFFFFFF  }
.LBB2_7:
0x98: {  	[hbm4b:s1+s16] =	stream.indirect_vreg.scatter [tilespmem:s31], [sflag:$0x2], $0x1, v8, vm0, $0x4038;
	[tilespmem:$0x12120] =	vst v63  }
0x99: {  	s0 =	sadd.s32 $0x10, s0;
	s31 =	smov.u32 s23;
	v8 =	vld [tilespmem:s2+$0x0]  }
0x9a: {  	p2 =	slt.u32 s0, $0x1FF0  }
0x9b: {  	v9 =	vld [tilespmem:s4+$0x0];
	_ =	sdelay $0x2  }
0x9c: {  	vm5 =	vgt.s32 v8, v7  }
0x9d: {  	v7 =	vsel vm5, v8, v7  }
0x9e: {  	vm5 =	vne.s32 v9, $0xFFFFFFFF;
	v7 =	vxor.u32 $0x80000000, v7  }
0x9f: {  	(xrf0) =	vmax.seg.scan.u32 vm5, v7;
	_ =	sdelay $0x2  }
0xa0: {  	v7 =	vld [tilespmem:s3+$0x0];
	_ =	sdelay $0x1  }
0xa1: {  	vm6 =	veq.s32 v9, v3;
	vm7 =	veq.s32 v9, v5  }
0xa2: {  	vm8 =	vgt.u32 v9, $0xFFFFFFFD;
	vm4 =	vmor vm4, vm6;
	vm7 =	vmor vm7, vm6;
	v8, _, _ =	vpop (xrf0)  }
0xa3: {  	vm5 =	vmand vm5, vm3;
	vm7 =	vmor vm7, vm8;
	v10 =	vxor.u32 $0x80000000, v8  }
.Ltmp5:
0xa4: {  	v8 =	vsel vm7, $0xFFFFFFFF, v9;
	vm7 =	vgt.s32 v10, v7;
	v9 =	vsel vm5, $0x80000000, v10;
	(pc) =	sbr.rel @p2 .LBB2_7-.Ltmp5, $4  }
0xa5: {  	v6 =	vsel vm6, v10, v6;
	v11 =	vsel vm7, v10, v7;
	v7 =	vshift.insert v9, v0, s22  }
0xa6: {  	v9 =	vsel vm6, v10, v11  }
0xa7: {  	s2 =	sadd.s32 $0x10, s2;
	s4 =	sadd.s32 $0x10, s4;
	[tilespmem:s23+$0x0] =	vst v9  }
0xa8: {  	s3 =	sadd.s32 $0x10, s3;
	s23 =	sadd.s32 $0x10, s23;
	(ifvalue) =	ssetifvalue $0xFFFFFFFF  }
0xa9: {  	_ =	sdelay $0x3  }
0xaa: {  	[hbm4b:s1+s16] =	stream.indirect_vreg.scatter [tilespmem:s31], [sflag:$0x2], $0x1, v8, vm0, $0x4038;
	[tilespmem:$0x12120] =	vst v63  }
0xab: {  	v3 =	vld [tilespmem:s30+$0x100F0];
	_ =	sdelay $0x4  }
0xac: {  	v3 =	vshift.insert v3, v1, s22  }
0xad: {  	s0 =	simm.s32 $0x30  }
0xae: {  	[tilespmem:s0+$0x0] =	vst.msk $0x1, v3  }
0xaf: {  	v3 =	vsel vm4, $0x1, v1;
	[tilespmem:$0x90] =	vst v6  }
0xb0: {  	s0 =	sadd.s32 @!p1 $0x100FF, s30;
	[tilespmem:$0xA0] =	vst v3  }
0xb1: {  	[spmem:s14] =	stream.linear.scatter @!p1 [tilespmem:s0], [sflag:$0x1], $0x1, $0x38;
	[tilespmem:$0x12120] =	vst v63  }
0xb2: {  	s0 =	simm.s32 @!p1 $0x1  }
0xb3: {  	v3 =	vmctz.xlane @!p1 vm4;
	_ =	swait.ge @!p1 [sflag:s0], $0x1  }
0xb4: {  	(v2sf) =	vpush @!p1 v4, $0x0  }
0xb5: {  	(v2sf) =	vpush @!p1 v3, $0x0;
	_ =	sdelay $0xd  }
0xb6: {  	s2 =	spop @!p1 (v2sf)  }
0xb7: {  	s3 =	spop @!p1 (v2sf)  }
0xb8: {  	p2 =	sne.s32 @!p1 s29, s2;
	p3 =	slt.s32 @!p1 s3, $0xF  }
0xb9: {  	[sflag:s0] =	ssyncset.done @!p1 $0x0;
	p2 =	por p2, p1;
	p3 =	por !p3, p1  }
0xba: {  	[sflag:s0] =	ssyncadd.s32 @!p1 $0xFFFFFFFF;
	v3 =	vimm.s32 @!p2 $0xFFFFFFFF;
	s3 =	simm.s32 @p3 $0xF  }
0xbb: {  	[tilespmem:$0x80] =	vst @!p2 v3;
	s2 =	sadd.s32 @!p1 $0x90, s3  }
0xbc: {  	[spmem:s11] =	stream.linear.scatter @!p1 [tilespmem:s2], [sflag:$0x1], $0x1, $0x38;
	[tilespmem:$0x12120] =	vst v63  }
0xbd: {  	_ =	swait.ge @!p1 [sflag:s0], $0x1  }
0xbe: {  	[sflag:s0] =	ssyncset.done @!p1 $0x0  }
0xbf: {  	s2 =	simm.s32 @!p1 $0x80;
	[sflag:s0] =	ssyncadd.s32 @!p1 $0xFFFFFFFF  }
0xc0: {  	[spmem:s15] =	stream.linear.scatter @!p1 [tilespmem:s2], [sflag:$0x1], $0x1, $0x38;
	[tilespmem:$0x12120] =	vst v63  }
0xc1: {  	_ =	swait.ge @!p1 [sflag:s0], $0x1  }
0xc2: {  	[sflag:s0] =	ssyncset.done @!p1 $0x0  }
0xc3: {  	[sflag:s0] =	ssyncadd.s32 @!p1 $0xFFFFFFFF;
	(ifvalue) =	ssetifvalue $0xFFFFFFFF;
	v3 =	vld [tilespmem:s26+$0x10];
	_ =	sdelay $0x3  }
.Ltmp6:
0xc4: {  	_ = 	snop;
	(pc) =	sbr.rel .LBB2_9-.Ltmp6, $3  }
0xc5: {  	_ =	sdelay $0x1  }
0xc6: {  	(ifvalue) =	ssetifvalue $0xFFFFFFFF  }
0xc7: {  	[hbm4b:s1+s16] =	stream.indirect_vreg.scatter [tilespmem:s28], [sflag:$0x9], $0x1, v3, vm0, $0x4038;
	[tilespmem:$0x12120] =	vst v63  }
.LBB2_10:
0xc8: {  	_ =	sfence.sel $0x180000  }
0xc9: {  	s0 =	simm.s32 $0x7;
	[bflag:$0x0] =	sbarrier.arrive $0xFFFF  }
0xca: {  	s26 =	simm.s32 $0x8;
	[sflag:s0] =	ssyncpa.u1 $0x1  }
0xcb: {  	s28 =	simm.s32 $0x9;
	[sflag:s26] =	ssyncpa.u1 $0x1  }
0xcc: {  	[sflag:s28] =	ssyncpa.u1 $0x1  }
0xcd: {  	_ =	sfence.stream.spmem  }
0xce: {  	s29 =	simm.s32 $0x3;
	[bflag:$0x0] =	sbarrier.arrive $0xFFFF  }
0xcf: {  	s30 =	simm.s32 $0x4;
	[sflag:s29] =	ssyncpa.u1 $0x1  }
0xd0: {  	s31 =	simm.s32 $0x3C;
	s2 =	stileid.u32;
	[sflag:s30] =	ssyncpa.u1 $0x1  }
0xd1: {  	p0 =	sne.s32 s2, $0x0;
	[sflag:s31] =	ssyncpa.u1 $0x1  }
0xd2: {  	s0 =	simm.s32 @p0 $0x1;
	_ =	sfence @p0  }
0xd3: {  	[sflag:s0] =	ssyncpa.u1 @p0 $0x1;
	s0 =	simm.s32 @p0 $0x2  }
0xd4: {  	[sflag:s0] =	ssyncpa.u1 @p0 $0x1  }
0xd5: {  	_ =	strace @p0 $0x90000047  }
0xd6: {  	[bflag:$0x2] =	sbarrier.arrive @p0 $0xFFFF  }
0xd7: {  	_ =	shalt @p0  }
.LBB2_11:
0xd8: {  	_ =	sfence.stream.spmem;
	s0 =	simm.s32 $0x5  }
0xd9: {  	s2 =	simm.s32 $0x80;
	s3 =	simm.s32 $0xC0;
	[sflag:s0] =	ssyncpa.u1 $0x0  }
0xda: {  	[tilespmem:s3], [sflag:$0x5] =	stream.linear.gather [spmem:s2], $0x20, $0x38;
	[tilespmem:$0x12120] =	vst v63  }
0xdb: {  	s30 =	simm.s32 $0xE0;
	s2 =	simm.s32 $0x0  }
0xdc: {  	[tilespmem:s30], [sflag:$0x5] =	stream.linear.gather [spmem:s2], $0x20, $0x38;
	[tilespmem:$0x12120] =	vst v63  }
.Ltmp7:
0xdd: {  	_ = 	snop;
	(pc) =	sbr.rel .LBB2_12-.Ltmp7, $4  }
0xde: {  	_ =	swait.ge [sflag:s0], $0x40  }
0xdf: {  	[sflag:s0] =	ssyncset.done $0x0  }
0xe0: {  	s31 =	simm.s32 $0x6;
	[sflag:s0] =	ssyncadd.s32 $0xFFFFFFC0  }
0xe1: {  	s3 =	simm.s32 $0x0;
	[sflag:s31] =	ssyncpa.u1 $0x0  }
.LBB2_17:
0xe2: {  	p0 =	sgt.u32 s4, $0xFFFFF  }
0xe3: {  	s0 =	sshrl.u32 @!p0 s4, $0x3  }
0xe4: {  	s4 =	sand.u32 @!p0 $0x7, s4;
	s5 =	simm.s32 @!p0 $0xB0;
	s0 =	sadd.s32 @!p0 s1, s0  }
0xe5: {  	[tilespmem:s5], [sflag:$0x6] =	stream.linear.gather @!p0 [hbm4b:s0+s4], $0x1, $0x38;
	[tilespmem:$0x12120] =	vst v63  }
0xe6: {  	s0 =	simm.s32 @!p0 $0x6  }
0xe7: {  	_ =	swait.ge @!p0 [sflag:s0], $0x1  }
0xe8: {  	[sflag:s0] =	ssyncset.done @!p0 $0x0  }
0xe9: {  	[sflag:s0] =	ssyncadd.s32 @!p0 $0xFFFFFFFF  }
0xea: {  	v1 =	vld.msk @!p0 [tilespmem:$0xB0], $0x1  }
0xeb: {  	v2 =	vld.msk @!p0 [tilespmem:s3+$0xE0], $0x1;
	_ =	sdelay $0x4  }
0xec: {  	vm0 =	vgt.s32 @!p0 v2, v1  }
0xed: {  	v1 =	vsel @!p0 vm0, v2, v1  }
0xee: {  	[tilespmem:s3+$0xE0] =	vst.msk @!p0 $0x1, v1  }
0xef: {  	[tilespmem:s2+$0xC0] =	vst.msk $0x1, v0  }
0xf0: {  	v0 =	vld.msk [tilespmem:s3+$0xE0], $0x1;
	_ =	sdelay $0x4  }
0xf1: {  	[tilespmem:s2+$0xE0] =	vst.msk $0x1, v0;
	s2 =	sadd.s32 $0x1, s2  }
.LBB2_19:
0xf2: {  	s3 =	sadd.s32 $0x1, s3  }
0xf3: {  	p0 =	sne.s32 s3, $0x20  }
.Ltmp8:
0xf4: {  	_ = 	snop;
	(pc) =	sbr.rel @!p0 .LBB2_20-.Ltmp8, $1  }
0xf5: {  	_ =	sdelay $0x3  }
.LBB2_12:
0xf6: {  	v0 =	vld.msk [tilespmem:s3+$0xC0], $0x1;
	_ =	sdelay $0x4  }
0xf7: {  	(v2sf) =	vpush v0, $0x0;
	_ =	sdelay $0xe  }
0xf8: {  	s4 =	spop (v2sf)  }
0xf9: {  	p0 =	seq.s32 s4, $0xFFFFFFFF  }
.Ltmp9:
0xfa: {  	_ = 	snop;
	(pc) =	sbr.rel @p0 .LBB2_19-.Ltmp9, $1  }
0xfb: {  	_ =	sdelay $0x3  }
0xfc: {  	p0 =	slt.s32 s2, $0x1  }
.Ltmp10:
0xfd: {  	_ = 	snop;
	(pc) =	sbr.rel @p0 .LBB2_17-.Ltmp10, $1  }
0xfe: {  	_ =	sdelay $0x3  }
0xff: {  	s0 =	simm.s32 $0xC0;
	p0 =	por $0x0, $0x0  }
0x100: {  	v1 =	vld.msk @!p0 [tilespmem:s0+$0x0], $0x1;
	_ =	sdelay $0x4  }
0x101: {  	(v2sf) =	vpush @!p0 v1, $0x0;
	_ =	sdelay $0xd  }
0x102: {  	p2 =	sne.s32 s2, $0x1  }
.Ltmp11:
0x103: {  	s5 =	spop @!p0 (v2sf);
	(pc) =	sbr.rel @!p2 .LBB2_16-.Ltmp11, $4  }
0x104: {  	p1 =	seq.s32 @!p0 s4, s5  }
0x105: {  	s5 =	simm.s32 $0x0;
	p1 =	por !p1, p0  }
0x106: {  	s7 =	simm.s32 $0xFFFFFFFF;
	s5 =	simm.s32 @p1 $0xFFFFFFFF  }
0x107: {  	s6 =	simm.s32 $0x1;
	s5 =	smov.u32 @p0 s7  }
.LBB2_15:
0x108: {  	s7 =	smov.u32 s5;
	p0 =	sne.s32 s5, $0xFFFFFFFF  }
0x109: {  	s0 =	sadd.s32 $0x1, s0;
	s5 =	smov.u32 s6;
	s6 =	sadd.s32 $0x1, s6  }
0x10a: {  	p1 =	sne.s32 s2, s6;
	v1 =	vld.msk @!p0 [tilespmem:s0+$0x0], $0x1;
	_ =	sdelay $0x4  }
0x10b: {  	(v2sf) =	vpush @!p0 v1, $0x0;
	_ =	sdelay $0xe  }
.Ltmp12:
0x10c: {  	s8 =	spop @!p0 (v2sf);
	(pc) =	sbr.rel @p1 .LBB2_15-.Ltmp12, $4  }
0x10d: {  	p2 =	seq.s32 @!p0 s4, s8  }
0x10e: {  	p2 =	por !p2, p0  }
0x10f: {  	s5 =	simm.s32 @p2 $0xFFFFFFFF  }
0x110: {  	s5 =	smov.u32 @p0 s7  }
.LBB2_16:
0x111: {  	p0 =	sne.s32 s5, $0xFFFFFFFF  }
.Ltmp13:
0x112: {  	_ = 	snop;
	(pc) =	sbr.rel @!p0 .LBB2_17-.Ltmp13, $1  }
0x113: {  	_ =	sdelay $0x3  }
0x114: {  	v0 =	vld.msk [tilespmem:s3+$0xE0], $0x1  }
0x115: {  	v1 =	vld.msk [tilespmem:s5+$0xE0], $0x1;
	_ =	sdelay $0x2  }
.Ltmp14:
0x116: {  	_ = 	snop;
	(pc) =	sbr.rel .LBB2_19-.Ltmp14, $4  }
0x117: {  	_ = 	snop  }
0x118: {  	vm0 =	vgt.s32 v1, v0  }
0x119: {  	v0 =	vsel vm0, v1, v0  }
0x11a: {  	[tilespmem:s5+$0xE0] =	vst.msk $0x1, v0  }
.LBB2_20:
0x11b: {  	p0 =	slt.s32 s2, $0x1  }
.Ltmp15:
0x11c: {  	_ = 	snop;
	(pc) =	sbr.rel @p0 .LBB2_24-.Ltmp15, $3  }
0x11d: {  	_ =	sdelay $0x1  }
0x11e: {  	s0 =	simm.s32 $0x6  }
0x11f: {  	[sflag:s0] =	ssyncpa.u1 $0x1;
	s0 =	simm.s32 $0x0  }
0x120: {  	s3 =	simm.s32 $0xC0  }
0x121: {  	v0 =	vld.msk [tilespmem:s3+$0x0], $0x1;
	_ =	sdelay $0x4  }
0x122: {  	(v2sf) =	vpush v0, $0x0;
	_ =	sdelay $0xe  }
0x123: {  	s2 =	sadd.s32 $0xFFFFFFFF, s2;
	s4 =	spop (v2sf)  }
0x124: {  	p1 =	sne.s32 s2, $0x0;
	p0 =	sgt.u32 s4, $0xFFFFF  }
.Ltmp16:
0x125: {  	s5 =	sshrl.u32 @!p0 s4, $0x3;
	(pc) =	sbr.rel @!p1 .LBB2_23-.Ltmp16, $4  }
0x126: {  	s3 =	simm.s32 $0xE0;
	s4 =	sand.u32 @!p0 $0x7, s4;
	s5 =	sadd.s32 @!p0 s1, s5  }
0x127: {  	[hbm4b:s5+s4] =	stream.linear.scatter @!p0 [tilespmem:s3], [sflag:$0x5], $0x1, $0x38;
	[tilespmem:$0x12120] =	vst v63  }
0x128: {  	s5 =	simm.s32 $0x0  }
0x129: {  	s4 =	simm.s32 $0xC1;
	s5 =	simm.s32 @!p0 $0x4  }
.LBB2_22:
0x12a: {  	v0 =	vld.msk [tilespmem:s4+$0x0], $0x1;
	s2 =	sadd.s32 $0xFFFFFFFF, s2;
	s0 =	sadd.s32 s0, s5  }
0x12b: {  	p0 =	sne.s32 s2, $0x0;
	_ =	sdelay $0x3  }
0x12c: {  	(v2sf) =	vpush v0, $0x0;
	_ =	sdelay $0xe  }
.Ltmp17:
0x12d: {  	s6 =	spop (v2sf);
	(pc) =	sbr.rel @p0 .LBB2_22-.Ltmp17, $4  }
0x12e: {  	s5 =	simm.s32 $0x0;
	p1 =	sgt.u32 s6, $0xFFFFF  }
0x12f: {  	s3 =	sadd.s32 $0x1, s3;
	s5 =	simm.s32 @!p1 $0x4;
	s7 =	sshrl.u32 @!p1 s6, $0x3  }
0x130: {  	s4 =	sadd.s32 $0x1, s4;
	s6 =	sand.u32 @!p1 $0x7, s6;
	s7 =	sadd.s32 @!p1 s1, s7  }
0x131: {  	[hbm4b:s7+s6] =	stream.linear.scatter @!p1 [tilespmem:s3], [sflag:$0x5], $0x1, $0x38;
	[tilespmem:$0x12120] =	vst v63  }
.LBB2_23:
0x132: {  	s0 =	sadd.s32 s0, s5  }
0x133: {  	s0 =	sshrl.u32 s0, $0x2  }
.LBB2_24:
0x134: {  	s1 =	simm.s32 $0x5  }
0x135: {  	_ =	swait.ge [sflag:s1], s0  }
0x136: {  	s28 =	ssub.s32 $0x0, s0;
	[sflag:s1] =	ssyncset.done $0x0  }
0x137: {  	[sflag:s1] =	ssyncadd.s32 s28  }
0x138: {  	[sflag:s1] =	ssyncpa.u1 $0x1  }
0x139: {  	s29 =	simm.s32 $0x1;
	_ =	sfence  }
0x13a: {  	s30 =	simm.s32 $0x2;
	[sflag:s29] =	ssyncpa.u1 $0x1  }
0x13b: {  	[sflag:s30] =	ssyncpa.u1 $0x1  }
0x13c: {  	_ =	strace $0x90000047  }
0x13d: {  	[bflag:$0x2] =	sbarrier.arrive $0xFFFF  }
0x13e: {  	s31 =	rddreg [dreg:$0x3]  }
0x13f: {  	s0 =	sadd.s32 $0x100000, s31  }
0x140: {  	[sflag:s0] =	ssyncadd.tile.s32 $0x1;
	_ =	shalt  }
.Lfunc_end2:
_tile_overlayer_lowered:
.L_overlay_start_2:
0x141: {  	(tag) =	ssettag $0x2  }
0x142: {  	s0 =	rddreg [dreg:$0x0];
	s2 =	stileid.u32  }
0x143: {  	s1 =	rddreg [dreg:$0x1];
	p0 =	sne.s32 s2, $0x0  }
0x144: {  	s3 =	rddreg [dreg:$0x2];
	[bflag:$0x3] =	sbarrier.arrive $0xFFFF;
	s2 =	simm.s32 @!p0 $0x1C01  }
0x145: {  	[timem:s3], [sflag:s2] =	dma.local @!p0 [hbm:s0], s1  }
0x146: {  	s0 =	simm.s32 @!p0 $0x1  }
0x147: {  	_ =	swait.ge @!p0 [sflag:s0], s1  }
0x148: {  	s1 =	ssub.s32 @!p0 $0x0, s1;
	[sflag:s0] =	ssyncset.done @!p0 $0x0  }
0x149: {  	[sflag:s0] =	ssyncadd.s32 @!p0 s1  }
0x14a: {  	[bflag:$0x3] =	sbarrier.arrive $0xFFFF  }
0x14b: {  	_ =	shalt  }

</sc_bundles>
